<compile_context>
chip_gen: v7x
topology: tpu7x:2x2x1
jax: 0.10.2.dev20260603
libtpu: 0.0.44.dev20260713+nightly
codegen_flags: <defaults>
</compile_context>

<pallas_src>
import functools

import jax
import jax.numpy as jnp
from jax import lax
from jax.experimental import pallas as pl
from jax.experimental.pallas import tpu as pltpu
from jax.experimental.pallas import tpu_sc as plsc

N = 10000
E = 320000
D = 128
NC = 2
NS = 16
NW = NC * NS
CH = 128
NCHUNK = 79
EPW = NCHUNK * CH
NP = 10112
STRIPE = NP // NS

_MESH = dict(core_axis_name="c", subcore_axis_name="s")



def _sc_degree(dst3, zeros16):
    mesh = plsc.VectorSubcoreMesh(**_MESH)

    @functools.partial(
        pl.kernel,
        out_type=jax.ShapeDtypeStruct((NC, NP, 16), jnp.float32),
        mesh=mesh,
        scratch_types=[
            pltpu.VMEM((NCHUNK, CH), jnp.int32),
            pltpu.VMEM((CH, 16), jnp.float32),
            pltpu.VMEM_SHARED((NP, 16), jnp.float32),
        ],
    )
    def k(dst_hbm, zero_hbm, out_hbm, dst_v, ones_v, acc):
        c = lax.axis_index("c")
        s = lax.axis_index("s")
        wid = c * NS + s
        base = s * STRIPE
        pltpu.sync_copy(zero_hbm, acc.at[pl.ds(base, STRIPE)])
        pltpu.sync_copy(dst_hbm.at[wid], dst_v)

        @pl.loop(0, CH)
        def _(jj):
            ones_v[jj, :] = jnp.full((16,), 1.0, jnp.float32)

        plsc.subcore_barrier()

        @pl.loop(0, NCHUNK)
        def _(j):
            pltpu.sync_copy(ones_v, acc.at[dst_v.at[j]], add=True)

        plsc.subcore_barrier()
        pltpu.sync_copy(acc.at[pl.ds(base, STRIPE)],
                        out_hbm.at[c, pl.ds(base, STRIPE)])

    return k(dst3, zeros16)


def _sc_spmm(hs, src3, dst3, zeros128):
    mesh = plsc.VectorSubcoreMesh(**_MESH)

    @functools.partial(
        pl.kernel,
        out_type=jax.ShapeDtypeStruct((NC, NP, D), jnp.float32),
        mesh=mesh,
        scratch_types=[
            pltpu.VMEM((NCHUNK, CH), jnp.int32),
            pltpu.VMEM((NCHUNK, CH), jnp.int32),
            pltpu.VMEM((CH, D), jnp.float32),
            pltpu.VMEM_SHARED((NP, D), jnp.float32),
        ],
    )
    def k(hs_hbm, src_hbm, dst_hbm, zero_hbm, out_hbm,
          src_v, dst_v, rows_v, acc):
        c = lax.axis_index("c")
        s = lax.axis_index("s")
        wid = c * NS + s
        base = s * STRIPE
        pltpu.sync_copy(zero_hbm, acc.at[pl.ds(base, STRIPE)])
        pltpu.sync_copy(src_hbm.at[wid], src_v)
        pltpu.sync_copy(dst_hbm.at[wid], dst_v)
        plsc.subcore_barrier()

        @pl.loop(0, NCHUNK)
        def _(j):
            pltpu.sync_copy(hs_hbm.at[src_v.at[j]], rows_v)
            pltpu.sync_copy(rows_v, acc.at[dst_v.at[j]], add=True)

        plsc.subcore_barrier()
        pltpu.sync_copy(acc.at[pl.ds(base, STRIPE)],
                        out_hbm.at[c, pl.ds(base, STRIPE)])

    return k(hs, src3, dst3, zeros128)



def _dot3(a, b):
    ah = a.astype(jnp.bfloat16)
    al = (a - ah.astype(jnp.float32)).astype(jnp.bfloat16)
    bh = b.astype(jnp.bfloat16)
    bl = (b - bh.astype(jnp.float32)).astype(jnp.bfloat16)
    f32 = jnp.float32
    return (jnp.dot(ah, bh, preferred_element_type=f32)
            + jnp.dot(ah, bl, preferred_element_type=f32)
            + jnp.dot(al, bh, preferred_element_type=f32))


def _tc_pre(xp, W1, degp):

    def body(x_ref, w_ref, deg_ref, hs_ref, dis_ref):
        deg = deg_ref[0, :, 0:1] + deg_ref[1, :, 0:1] + 1.0
        dis = lax.rsqrt(deg)
        h = _dot3(x_ref[...], w_ref[...])
        hs_ref[...] = h * dis
        dis_ref[...] = dis

    return pl.pallas_call(
        body,
        out_shape=(
            jax.ShapeDtypeStruct((NP, D), jnp.float32),
            jax.ShapeDtypeStruct((NP, 1), jnp.float32),
        ),
    )(xp, W1, degp)


def _tc_mid(s1, hs1, dis, b1, W2):

    def body(s_ref, hs_ref, dis_ref, b_ref, w_ref, out_ref):
        dis = dis_ref[...]
        h = dis * (s_ref[0] + s_ref[1] + hs_ref[...]) + b_ref[...]
        h = jnp.maximum(h, 0.0)
        rows = lax.broadcasted_iota(jnp.int32, (NP, 1), 0)
        h = jnp.where(rows < N, h, 0.0)
        out_ref[...] = dis * _dot3(h, w_ref[...])

    return pl.pallas_call(
        body,
        out_shape=jax.ShapeDtypeStruct((NP, D), jnp.float32),
    )(s1, hs1, dis, b1, W2)


def _tc_post(s2, hs2, dis, b2, Wfc, bfc):

    def body(s_ref, hs_ref, dis_ref, b_ref, w_ref, bf_ref, out_ref):
        dis = dis_ref[...]
        h = dis * (s_ref[0] + s_ref[1] + hs_ref[...]) + b_ref[...]
        h = jnp.maximum(h, 0.0)
        out_ref[...] = _dot3(h, w_ref[...]) + bf_ref[...]

    return pl.pallas_call(
        body,
        out_shape=jax.ShapeDtypeStruct((NP, 1), jnp.float32),
    )(s2, hs2, dis, b2, Wfc, bfc)



def kernel(x, edge_index, W1, b1, W2, b2, Wfc, bfc):
    src = edge_index[0].astype(jnp.int32)
    dst = edge_index[1].astype(jnp.int32)
    pad_idx = jnp.full((NW * EPW - E,), N, jnp.int32)
    src3 = jnp.concatenate([src, pad_idx]).reshape(NW, NCHUNK, CH)
    dst3 = jnp.concatenate([dst, pad_idx]).reshape(NW, NCHUNK, CH)

    xp = jnp.zeros((NP, D), jnp.float32).at[:N].set(x)
    zeros16 = jnp.zeros((STRIPE, 16), jnp.float32)
    zeros128 = jnp.zeros((STRIPE, D), jnp.float32)

    degp = _sc_degree(dst3, zeros16)
    hs1, dis = _tc_pre(xp, W1, degp)
    s1 = _sc_spmm(hs1, src3, dst3, zeros128)
    hs2 = _tc_mid(s1, hs1, dis, b1.reshape(1, D), W2)
    s2 = _sc_spmm(hs2, src3, dst3, zeros128)
    outp = _tc_post(s2, hs2, dis, b2.reshape(1, D),
                    Wfc, bfc.reshape(1, 1))
    return outp[:N]

# --- scband reference (transcript-rebuilt; emitter-appended) ---
"""Pipeline reference for scband-gcn-78271484002571 (READ-ONLY COPY).

The authoritative reference and input builder live on the scoring server;
editing this copy changes nothing except your own understanding.
"""

import jax, jax.numpy as jnp
import numpy as np

N_NODES = 10000
N_EDGES = 320000
D_IN = 128
D_HID = 128
D_OUT = 128

def setup_inputs(seed: int = 0) -> dict:
    key = jax.random.key(seed)
    ks = jax.random.split(key, 8)
    x = jax.random.normal(ks[0], (N_NODES, D_IN), dtype=jnp.float32)
    edge_index = jax.random.randint(ks[1], (2, N_EDGES), 0, N_NODES, dtype=jnp.int64)
    W1 = jax.random.normal(ks[2], (D_IN, D_HID), dtype=jnp.float32) * 0.05
    b1 = jnp.zeros((D_HID,), dtype=jnp.float32)
    W2 = jax.random.normal(ks[3], (D_HID, D_OUT), dtype=jnp.float32) * 0.05
    b2 = jnp.zeros((D_OUT,), dtype=jnp.float32)
    Wfc = jax.random.normal(ks[4], (D_OUT, 1), dtype=jnp.float32) * 0.05
    bfc = jnp.zeros((1,), dtype=jnp.float32)
    return {"x": x, "edge_index": edge_index, "W1": W1, "b1": b1, "W2": W2, "b2": b2, "Wfc": Wfc, "bfc": bfc}

def _gcn_conv(x, edge_index, W, b):
    # Faithful PyG GCNConv with normalize=True, add_self_loops=True
    n = x.shape[0]
    src = edge_index[0]
    dst = edge_index[1]
    loop = jnp.arange(n, dtype=edge_index.dtype)
    src = jnp.concatenate([src, loop])
    dst = jnp.concatenate([dst, loop])
    w = jnp.ones((src.shape[0],), dtype=x.dtype)
    deg = jnp.zeros((n,), dtype=x.dtype).at[dst].add(w)
    deg_inv_sqrt = jnp.where(deg > 0, jax.lax.rsqrt(jnp.where(deg > 0, deg, 1.0)), 0.0)
    norm = deg_inv_sqrt[src] * w * deg_inv_sqrt[dst]
    h = x @ W
    msg = norm[:, None] * jnp.take(h, src, axis=0)
    out = jnp.zeros((n, W.shape[1]), dtype=x.dtype).at[dst].add(msg)
    return out + b

def reference(x, edge_index, W1, b1, W2, b2, Wfc, bfc):
    h = jax.nn.relu(_gcn_conv(x, edge_index, W1, b1))
    h = jax.nn.relu(_gcn_conv(h, edge_index, W2, b2))
    out = h @ Wfc + bfc  # regression head -> [N, 1]
    return out

if __name__ == "__main__":
    import jax
    _d = setup_inputs()
    print(jax.jit(kernel)(*tuple(_d.values())))

</pallas_src>

<mosaic_0001>
#map = affine_map<(d0, d1) -> (0, 0)>
#map1 = affine_map<(d0, d1) -> (0, 0, 0)>
module attributes {stable_mosaic.version = 14 : i64} {
  func.func @k(%arg0: i32, %arg1: i32, %arg2: memref<10112x128xf32, #tpu.memory_space<hbm>>, %arg3: memref<32x79x128xi32, #tpu.memory_space<hbm>>, %arg4: memref<32x79x128xi32, #tpu.memory_space<hbm>>, %arg5: memref<632x128xf32, #tpu.memory_space<hbm>>, %arg6: memref<2x10112x128xf32, #tpu.memory_space<hbm>>, %arg7: memref<79x128xi32, #tpu.memory_space<vmem>>, %arg8: memref<79x128xi32, #tpu.memory_space<vmem>>, %arg9: memref<128x128xf32, #tpu.memory_space<vmem>>, %arg10: memref<10112x128xf32, #tpu.memory_space<vmem_shared>>) attributes {dimension_semantics = [#tpu.dimension_semantics<core_parallel>, #tpu.dimension_semantics<subcore_parallel>], iteration_bounds = array<i64: 2, 16>, scalar_prefetch = 0 : i64, scratch_operands = 4 : i64, tpu.core_type = #tpu.core_type<sc_vector_subcore>, window_params = [{transform_indices = #map}, {transform_indices = #map1}, {transform_indices = #map1}, {transform_indices = #map}, {transform_indices = #map1}]} {
    %mul3A = arith.constant 16 : i32
    %mul3A_0 = arith.muli %arg0, %mul3A : i32
    %add3A = arith.addi %mul3A_0, %arg1 : i32
    %mul3A_1 = arith.constant 632 : i32
    %mul3A_2 = arith.muli %arg1, %mul3A_1 : i32
    "tpu.region"() ({
      %run_scoped3A = tpu.sem_alloc : memref<!tpu.dma_semaphore, #tpu.memory_space<semaphore_mem>>
      %dma_start3A = arith.constant 0 : i32
      %dma_start3A_8 = tpu.memref_slice %arg10[%mul3A_2, %dma_start3A] : memref<10112x128xf32, #tpu.memory_space<vmem_shared>> -> memref<632x128xf32, #tpu.memory_space<vmem_shared>>
      tpu.enqueue_dma source(%arg5 : memref<632x128xf32, #tpu.memory_space<hbm>>) target(%dma_start3A_8 : memref<632x128xf32, #tpu.memory_space<vmem_shared>>) target_semaphore(%run_scoped3A : memref<!tpu.dma_semaphore, #tpu.memory_space<semaphore_mem>>)
      %dma_wait3A = arith.constant 0 : i32
      %dma_wait3A_9 = tpu.memref_slice %arg10[%mul3A_2, %dma_wait3A] : memref<10112x128xf32, #tpu.memory_space<vmem_shared>> -> memref<632x128xf32, #tpu.memory_space<vmem_shared>>
      tpu.wait_dma2 semaphore(%run_scoped3A : memref<!tpu.dma_semaphore, #tpu.memory_space<semaphore_mem>>) src(%arg5 : memref<632x128xf32, #tpu.memory_space<hbm>>) dst(%dma_wait3A_9 : memref<632x128xf32, #tpu.memory_space<vmem_shared>>)
      tpu.yield
    }) : () -> ()
    "tpu.region"() ({
      %run_scoped3A = tpu.sem_alloc : memref<!tpu.dma_semaphore, #tpu.memory_space<semaphore_mem>>
      %dma_start3A = arith.constant 0 : i32
      %dma_start3A_8 = arith.constant 0 : i32
      %dma_start3A_9 = tpu.memref_slice %arg3[%add3A, %dma_start3A, %dma_start3A_8] : memref<32x79x128xi32, #tpu.memory_space<hbm>> -> memref<1x79x128xi32, #tpu.memory_space<hbm>>
      %dma_start3A_10 = tpu.memref_squeeze %dma_start3A_9 : memref<1x79x128xi32, #tpu.memory_space<hbm>> -> memref<79x128xi32, #tpu.memory_space<hbm>>
      %dma_start3A_11 = arith.constant 0 : i32
      %dma_start3A_12 = arith.constant 0 : i32
      %dma_start3A_13 = tpu.memref_slice %arg3[%add3A, %dma_start3A_11, %dma_start3A_12] : memref<32x79x128xi32, #tpu.memory_space<hbm>> -> memref<1x79x128xi32, #tpu.memory_space<hbm>>
      %dma_start3A_14 = tpu.memref_squeeze %dma_start3A_13 : memref<1x79x128xi32, #tpu.memory_space<hbm>> -> memref<79x128xi32, #tpu.memory_space<hbm>>
      tpu.enqueue_dma source(%dma_start3A_14 : memref<79x128xi32, #tpu.memory_space<hbm>>) target(%arg7 : memref<79x128xi32, #tpu.memory_space<vmem>>) target_semaphore(%run_scoped3A : memref<!tpu.dma_semaphore, #tpu.memory_space<semaphore_mem>>)
      %dma_wait3A = arith.constant 0 : i32
      %dma_wait3A_15 = arith.constant 0 : i32
      %dma_wait3A_16 = tpu.memref_slice %arg3[%add3A, %dma_wait3A, %dma_wait3A_15] : memref<32x79x128xi32, #tpu.memory_space<hbm>> -> memref<1x79x128xi32, #tpu.memory_space<hbm>>
      %dma_wait3A_17 = tpu.memref_squeeze %dma_wait3A_16 : memref<1x79x128xi32, #tpu.memory_space<hbm>> -> memref<79x128xi32, #tpu.memory_space<hbm>>
      %dma_wait3A_18 = arith.constant 0 : i32
      %dma_wait3A_19 = arith.constant 0 : i32
      %dma_wait3A_20 = tpu.memref_slice %arg3[%add3A, %dma_wait3A_18, %dma_wait3A_19] : memref<32x79x128xi32, #tpu.memory_space<hbm>> -> memref<1x79x128xi32, #tpu.memory_space<hbm>>
      %dma_wait3A_21 = tpu.memref_squeeze %dma_wait3A_20 : memref<1x79x128xi32, #tpu.memory_space<hbm>> -> memref<79x128xi32, #tpu.memory_space<hbm>>
      tpu.wait_dma2 semaphore(%run_scoped3A : memref<!tpu.dma_semaphore, #tpu.memory_space<semaphore_mem>>) src(%dma_wait3A_21 : memref<79x128xi32, #tpu.memory_space<hbm>>) dst(%arg7 : memref<79x128xi32, #tpu.memory_space<vmem>>)
      tpu.yield
    }) : () -> ()
    "tpu.region"() ({
      %run_scoped3A = tpu.sem_alloc : memref<!tpu.dma_semaphore, #tpu.memory_space<semaphore_mem>>
      %dma_start3A = arith.constant 0 : i32
      %dma_start3A_8 = arith.constant 0 : i32
      %dma_start3A_9 = tpu.memref_slice %arg4[%add3A, %dma_start3A, %dma_start3A_8] : memref<32x79x128xi32, #tpu.memory_space<hbm>> -> memref<1x79x128xi32, #tpu.memory_space<hbm>>
      %dma_start3A_10 = tpu.memref_squeeze %dma_start3A_9 : memref<1x79x128xi32, #tpu.memory_space<hbm>> -> memref<79x128xi32, #tpu.memory_space<hbm>>
      %dma_start3A_11 = arith.constant 0 : i32
      %dma_start3A_12 = arith.constant 0 : i32
      %dma_start3A_13 = tpu.memref_slice %arg4[%add3A, %dma_start3A_11, %dma_start3A_12] : memref<32x79x128xi32, #tpu.memory_space<hbm>> -> memref<1x79x128xi32, #tpu.memory_space<hbm>>
      %dma_start3A_14 = tpu.memref_squeeze %dma_start3A_13 : memref<1x79x128xi32, #tpu.memory_space<hbm>> -> memref<79x128xi32, #tpu.memory_space<hbm>>
      tpu.enqueue_dma source(%dma_start3A_14 : memref<79x128xi32, #tpu.memory_space<hbm>>) target(%arg8 : memref<79x128xi32, #tpu.memory_space<vmem>>) target_semaphore(%run_scoped3A : memref<!tpu.dma_semaphore, #tpu.memory_space<semaphore_mem>>)
      %dma_wait3A = arith.constant 0 : i32
      %dma_wait3A_15 = arith.constant 0 : i32
      %dma_wait3A_16 = tpu.memref_slice %arg4[%add3A, %dma_wait3A, %dma_wait3A_15] : memref<32x79x128xi32, #tpu.memory_space<hbm>> -> memref<1x79x128xi32, #tpu.memory_space<hbm>>
      %dma_wait3A_17 = tpu.memref_squeeze %dma_wait3A_16 : memref<1x79x128xi32, #tpu.memory_space<hbm>> -> memref<79x128xi32, #tpu.memory_space<hbm>>
      %dma_wait3A_18 = arith.constant 0 : i32
      %dma_wait3A_19 = arith.constant 0 : i32
      %dma_wait3A_20 = tpu.memref_slice %arg4[%add3A, %dma_wait3A_18, %dma_wait3A_19] : memref<32x79x128xi32, #tpu.memory_space<hbm>> -> memref<1x79x128xi32, #tpu.memory_space<hbm>>
      %dma_wait3A_21 = tpu.memref_squeeze %dma_wait3A_20 : memref<1x79x128xi32, #tpu.memory_space<hbm>> -> memref<79x128xi32, #tpu.memory_space<hbm>>
      tpu.wait_dma2 semaphore(%run_scoped3A : memref<!tpu.dma_semaphore, #tpu.memory_space<semaphore_mem>>) src(%dma_wait3A_21 : memref<79x128xi32, #tpu.memory_space<hbm>>) dst(%arg8 : memref<79x128xi32, #tpu.memory_space<vmem>>)
      tpu.yield
    }) : () -> ()
    %barrier3A = arith.constant 0 : index
    tpu.barrier barrier_id(%barrier3A)
    %scan3A = arith.constant 0 : i32
    %scan3A_3 = arith.constant 79 : i32
    %scan3A_4 = arith.addi %scan3A, %scan3A_3 : i32
    %scan3A_5 = arith.constant 1 : i32
    scf.for %scan3A_8 = %scan3A to %scan3A_4 step %scan3A_5  : i32 {
      %mul3A_9 = arith.constant 1 : i32
      %mul3A_10 = arith.muli %scan3A_8, %mul3A_9 : i32
      %add3A_11 = arith.constant 0 : i32
      %add3A_12 = arith.addi %add3A_11, %mul3A_10 : i32
      "tpu.region"() ({
        %run_scoped3A = tpu.sem_alloc : memref<!tpu.dma_semaphore, #tpu.memory_space<semaphore_mem>>
        %dma_start3A = arith.constant 0 : i32
        %dma_start3A_13 = tpu.memref_slice %arg7[%add3A_12, %dma_start3A] : memref<79x128xi32, #tpu.memory_space<vmem>> -> memref<1x128xi32, #tpu.memory_space<vmem>>
        %dma_start3A_14 = tpu.memref_squeeze %dma_start3A_13 : memref<1x128xi32, #tpu.memory_space<vmem>> -> memref<128xi32, #tpu.memory_space<vmem>>
        %dma_start3A_15 = arith.constant 0 : i32
        %dma_start3A_16 = arith.constant 0 : i32
        %dma_start3A_17 = tpu.memref_slice %arg2[%dma_start3A_15, %dma_start3A_16] : memref<10112x128xf32, #tpu.memory_space<hbm>> -> memref<10112x128xf32, #tpu.memory_space<hbm>>
        tpu.enqueue_indirect_dma source(%dma_start3A_17 : memref<10112x128xf32, #tpu.memory_space<hbm>>) target(%arg9 : memref<128x128xf32, #tpu.memory_space<vmem>>) offsets(%dma_start3A_14 : memref<128xi32, #tpu.memory_space<vmem>>) semaphore(%run_scoped3A : memref<!tpu.dma_semaphore, #tpu.memory_space<semaphore_mem>>)
        %dma_wait3A = arith.constant 0 : i32
        %dma_wait3A_18 = tpu.memref_slice %arg7[%add3A_12, %dma_wait3A] : memref<79x128xi32, #tpu.memory_space<vmem>> -> memref<1x128xi32, #tpu.memory_space<vmem>>
        %dma_wait3A_19 = tpu.memref_squeeze %dma_wait3A_18 : memref<1x128xi32, #tpu.memory_space<vmem>> -> memref<128xi32, #tpu.memory_space<vmem>>
        %dma_wait3A_20 = arith.constant 0 : i32
        %dma_wait3A_21 = arith.constant 0 : i32
        %dma_wait3A_22 = tpu.memref_slice %arg2[%dma_wait3A_20, %dma_wait3A_21] : memref<10112x128xf32, #tpu.memory_space<hbm>> -> memref<10112x128xf32, #tpu.memory_space<hbm>>
        tpu.wait_indirect_dma semaphore(%run_scoped3A : memref<!tpu.dma_semaphore, #tpu.memory_space<semaphore_mem>>) src(%dma_wait3A_22 : memref<10112x128xf32, #tpu.memory_space<hbm>>) dst(%arg9 : memref<128x128xf32, #tpu.memory_space<vmem>>)
        tpu.yield
      }) : () -> ()
      "tpu.region"() ({
        %run_scoped3A = tpu.sem_alloc : memref<!tpu.dma_semaphore, #tpu.memory_space<semaphore_mem>>
        %dma_start3A = arith.constant 0 : i32
        %dma_start3A_13 = tpu.memref_slice %arg8[%add3A_12, %dma_start3A] : memref<79x128xi32, #tpu.memory_space<vmem>> -> memref<1x128xi32, #tpu.memory_space<vmem>>
        %dma_start3A_14 = tpu.memref_squeeze %dma_start3A_13 : memref<1x128xi32, #tpu.memory_space<vmem>> -> memref<128xi32, #tpu.memory_space<vmem>>
        %dma_start3A_15 = arith.constant 0 : i32
        %dma_start3A_16 = arith.constant 0 : i32
        %dma_start3A_17 = tpu.memref_slice %arg10[%dma_start3A_15, %dma_start3A_16] : memref<10112x128xf32, #tpu.memory_space<vmem_shared>> -> memref<10112x128xf32, #tpu.memory_space<vmem_shared>>
        tpu.enqueue_indirect_dma source(%arg9 : memref<128x128xf32, #tpu.memory_space<vmem>>) target(%dma_start3A_17 : memref<10112x128xf32, #tpu.memory_space<vmem_shared>>) offsets(%dma_start3A_14 : memref<128xi32, #tpu.memory_space<vmem>>) semaphore(%run_scoped3A : memref<!tpu.dma_semaphore, #tpu.memory_space<semaphore_mem>>) {add = true}
        %dma_wait3A = arith.constant 0 : i32
        %dma_wait3A_18 = tpu.memref_slice %arg8[%add3A_12, %dma_wait3A] : memref<79x128xi32, #tpu.memory_space<vmem>> -> memref<1x128xi32, #tpu.memory_space<vmem>>
        %dma_wait3A_19 = tpu.memref_squeeze %dma_wait3A_18 : memref<1x128xi32, #tpu.memory_space<vmem>> -> memref<128xi32, #tpu.memory_space<vmem>>
        %dma_wait3A_20 = arith.constant 0 : i32
        %dma_wait3A_21 = arith.constant 0 : i32
        %dma_wait3A_22 = tpu.memref_slice %arg10[%dma_wait3A_20, %dma_wait3A_21] : memref<10112x128xf32, #tpu.memory_space<vmem_shared>> -> memref<10112x128xf32, #tpu.memory_space<vmem_shared>>
        tpu.wait_indirect_dma semaphore(%run_scoped3A : memref<!tpu.dma_semaphore, #tpu.memory_space<semaphore_mem>>) src(%arg9 : memref<128x128xf32, #tpu.memory_space<vmem>>) dst(%dma_wait3A_22 : memref<10112x128xf32, #tpu.memory_space<vmem_shared>>)
        tpu.yield
      }) : () -> ()
    }
    %scan3A_6 = arith.constant 79 : i32
    %barrier3A_7 = arith.constant 0 : index
    tpu.barrier barrier_id(%barrier3A_7)
    "tpu.region"() ({
      %run_scoped3A = tpu.sem_alloc : memref<!tpu.dma_semaphore, #tpu.memory_space<semaphore_mem>>
      %dma_start3A = arith.constant 0 : i32
      %dma_start3A_8 = tpu.memref_slice %arg6[%arg0, %mul3A_2, %dma_start3A] : memref<2x10112x128xf32, #tpu.memory_space<hbm>> -> memref<1x632x128xf32, #tpu.memory_space<hbm>>
      %dma_start3A_9 = tpu.memref_squeeze %dma_start3A_8 : memref<1x632x128xf32, #tpu.memory_space<hbm>> -> memref<632x128xf32, #tpu.memory_space<hbm>>
      %dma_start3A_10 = arith.constant 0 : i32
      %dma_start3A_11 = tpu.memref_slice %arg10[%mul3A_2, %dma_start3A_10] : memref<10112x128xf32, #tpu.memory_space<vmem_shared>> -> memref<632x128xf32, #tpu.memory_space<vmem_shared>>
      tpu.enqueue_dma source(%dma_start3A_11 : memref<632x128xf32, #tpu.memory_space<vmem_shared>>) target(%dma_start3A_9 : memref<632x128xf32, #tpu.memory_space<hbm>>) target_semaphore(%run_scoped3A : memref<!tpu.dma_semaphore, #tpu.memory_space<semaphore_mem>>)
      %dma_wait3A = arith.constant 0 : i32
      %dma_wait3A_12 = tpu.memref_slice %arg6[%arg0, %mul3A_2, %dma_wait3A] : memref<2x10112x128xf32, #tpu.memory_space<hbm>> -> memref<1x632x128xf32, #tpu.memory_space<hbm>>
      %dma_wait3A_13 = tpu.memref_squeeze %dma_wait3A_12 : memref<1x632x128xf32, #tpu.memory_space<hbm>> -> memref<632x128xf32, #tpu.memory_space<hbm>>
      %dma_wait3A_14 = arith.constant 0 : i32
      %dma_wait3A_15 = tpu.memref_slice %arg10[%mul3A_2, %dma_wait3A_14] : memref<10112x128xf32, #tpu.memory_space<vmem_shared>> -> memref<632x128xf32, #tpu.memory_space<vmem_shared>>
      tpu.wait_dma2 semaphore(%run_scoped3A : memref<!tpu.dma_semaphore, #tpu.memory_space<semaphore_mem>>) src(%dma_wait3A_15 : memref<632x128xf32, #tpu.memory_space<vmem_shared>>) dst(%dma_wait3A_13 : memref<632x128xf32, #tpu.memory_space<hbm>>)
      tpu.yield
    }) : () -> ()
    return
  }
}

#map = affine_map<(d0, d1) -> (0, 0, 0)>
#map1 = affine_map<(d0, d1) -> (0, 0)>
module attributes {stable_mosaic.version = 14 : i64} {
  func.func @k(%arg0: i32, %arg1: i32, %arg2: memref<32x79x128xi32, #tpu.memory_space<hbm>>, %arg3: memref<632x16xf32, #tpu.memory_space<hbm>>, %arg4: memref<2x10112x16xf32, #tpu.memory_space<hbm>>, %arg5: memref<79x128xi32, #tpu.memory_space<vmem>>, %arg6: memref<128x16xf32, #tpu.memory_space<vmem>>, %arg7: memref<10112x16xf32, #tpu.memory_space<vmem_shared>>) attributes {dimension_semantics = [#tpu.dimension_semantics<core_parallel>, #tpu.dimension_semantics<subcore_parallel>], iteration_bounds = array<i64: 2, 16>, scalar_prefetch = 0 : i64, scratch_operands = 3 : i64, tpu.core_type = #tpu.core_type<sc_vector_subcore>, window_params = [{transform_indices = #map}, {transform_indices = #map1}, {transform_indices = #map}]} {
    %mul3A = arith.constant 16 : i32
    %mul3A_0 = arith.muli %arg0, %mul3A : i32
    %add3A = arith.addi %mul3A_0, %arg1 : i32
    %mul3A_1 = arith.constant 632 : i32
    %mul3A_2 = arith.muli %arg1, %mul3A_1 : i32
    "tpu.region"() ({
      %run_scoped3A = tpu.sem_alloc : memref<!tpu.dma_semaphore, #tpu.memory_space<semaphore_mem>>
      %dma_start3A = arith.constant 0 : i32
      %dma_start3A_13 = tpu.memref_slice %arg7[%mul3A_2, %dma_start3A] : memref<10112x16xf32, #tpu.memory_space<vmem_shared>> -> memref<632x16xf32, #tpu.memory_space<vmem_shared>>
      tpu.enqueue_dma source(%arg3 : memref<632x16xf32, #tpu.memory_space<hbm>>) target(%dma_start3A_13 : memref<632x16xf32, #tpu.memory_space<vmem_shared>>) target_semaphore(%run_scoped3A : memref<!tpu.dma_semaphore, #tpu.memory_space<semaphore_mem>>)
      %dma_wait3A = arith.constant 0 : i32
      %dma_wait3A_14 = tpu.memref_slice %arg7[%mul3A_2, %dma_wait3A] : memref<10112x16xf32, #tpu.memory_space<vmem_shared>> -> memref<632x16xf32, #tpu.memory_space<vmem_shared>>
      tpu.wait_dma2 semaphore(%run_scoped3A : memref<!tpu.dma_semaphore, #tpu.memory_space<semaphore_mem>>) src(%arg3 : memref<632x16xf32, #tpu.memory_space<hbm>>) dst(%dma_wait3A_14 : memref<632x16xf32, #tpu.memory_space<vmem_shared>>)
      tpu.yield
    }) : () -> ()
    "tpu.region"() ({
      %run_scoped3A = tpu.sem_alloc : memref<!tpu.dma_semaphore, #tpu.memory_space<semaphore_mem>>
      %dma_start3A = arith.constant 0 : i32
      %dma_start3A_13 = arith.constant 0 : i32
      %dma_start3A_14 = tpu.memref_slice %arg2[%add3A, %dma_start3A, %dma_start3A_13] : memref<32x79x128xi32, #tpu.memory_space<hbm>> -> memref<1x79x128xi32, #tpu.memory_space<hbm>>
      %dma_start3A_15 = tpu.memref_squeeze %dma_start3A_14 : memref<1x79x128xi32, #tpu.memory_space<hbm>> -> memref<79x128xi32, #tpu.memory_space<hbm>>
      %dma_start3A_16 = arith.constant 0 : i32
      %dma_start3A_17 = arith.constant 0 : i32
      %dma_start3A_18 = tpu.memref_slice %arg2[%add3A, %dma_start3A_16, %dma_start3A_17] : memref<32x79x128xi32, #tpu.memory_space<hbm>> -> memref<1x79x128xi32, #tpu.memory_space<hbm>>
      %dma_start3A_19 = tpu.memref_squeeze %dma_start3A_18 : memref<1x79x128xi32, #tpu.memory_space<hbm>> -> memref<79x128xi32, #tpu.memory_space<hbm>>
      tpu.enqueue_dma source(%dma_start3A_19 : memref<79x128xi32, #tpu.memory_space<hbm>>) target(%arg5 : memref<79x128xi32, #tpu.memory_space<vmem>>) target_semaphore(%run_scoped3A : memref<!tpu.dma_semaphore, #tpu.memory_space<semaphore_mem>>)
      %dma_wait3A = arith.constant 0 : i32
      %dma_wait3A_20 = arith.constant 0 : i32
      %dma_wait3A_21 = tpu.memref_slice %arg2[%add3A, %dma_wait3A, %dma_wait3A_20] : memref<32x79x128xi32, #tpu.memory_space<hbm>> -> memref<1x79x128xi32, #tpu.memory_space<hbm>>
      %dma_wait3A_22 = tpu.memref_squeeze %dma_wait3A_21 : memref<1x79x128xi32, #tpu.memory_space<hbm>> -> memref<79x128xi32, #tpu.memory_space<hbm>>
      %dma_wait3A_23 = arith.constant 0 : i32
      %dma_wait3A_24 = arith.constant 0 : i32
      %dma_wait3A_25 = tpu.memref_slice %arg2[%add3A, %dma_wait3A_23, %dma_wait3A_24] : memref<32x79x128xi32, #tpu.memory_space<hbm>> -> memref<1x79x128xi32, #tpu.memory_space<hbm>>
      %dma_wait3A_26 = tpu.memref_squeeze %dma_wait3A_25 : memref<1x79x128xi32, #tpu.memory_space<hbm>> -> memref<79x128xi32, #tpu.memory_space<hbm>>
      tpu.wait_dma2 semaphore(%run_scoped3A : memref<!tpu.dma_semaphore, #tpu.memory_space<semaphore_mem>>) src(%dma_wait3A_26 : memref<79x128xi32, #tpu.memory_space<hbm>>) dst(%arg5 : memref<79x128xi32, #tpu.memory_space<vmem>>)
      tpu.yield
    }) : () -> ()
    %scan3A = arith.constant 0 : i32
    %scan3A_3 = arith.constant 128 : i32
    %scan3A_4 = arith.addi %scan3A, %scan3A_3 : i32
    %scan3A_5 = arith.constant 1 : i32
    scf.for %scan3A_13 = %scan3A to %scan3A_4 step %scan3A_5  : i32 {
      %mul3A_14 = arith.constant 1 : i32
      %mul3A_15 = arith.muli %scan3A_13, %mul3A_14 : i32
      %add3A_16 = arith.constant 0 : i32
      %add3A_17 = arith.addi %add3A_16, %mul3A_15 : i32
      %broadcast_in_dim3A = arith.constant 1.000000e+00 : f32
      %broadcast_in_dim3A_18 = vector.broadcast %broadcast_in_dim3A : f32 to vector<16xf32>
      %swap3A = arith.index_cast %add3A_17 : i32 to index
      %swap3A_19 = arith.constant 0 : index
      %swap3A_20 = tpu.vector_load %arg6[%swap3A, %swap3A_19] {strides = array<i32>} : memref<128x16xf32, #tpu.memory_space<vmem>>, vector<1x16xf32>,
      %swap3A_21 = vector.shape_cast %swap3A_20 : vector<1x16xf32> to vector<16xf32>
      %swap3A_22 = vector.shape_cast %broadcast_in_dim3A_18 : vector<16xf32> to vector<1x16xf32>
      tpu.vector_store %arg6[%swap3A, %swap3A_19], %swap3A_22 {strides = array<i32>} : memref<128x16xf32, #tpu.memory_space<vmem>>, vector<1x16xf32>,
    }
    %scan3A_6 = arith.constant 128 : i32
    %barrier3A = arith.constant 0 : index
    tpu.barrier barrier_id(%barrier3A)
    %scan3A_7 = arith.constant 0 : i32
    %scan3A_8 = arith.constant 79 : i32
    %scan3A_9 = arith.addi %scan3A_7, %scan3A_8 : i32
    %scan3A_10 = arith.constant 1 : i32
    scf.for %scan3A_13 = %scan3A_7 to %scan3A_9 step %scan3A_10  : i32 {
      %mul3A_14 = arith.constant 1 : i32
      %mul3A_15 = arith.muli %scan3A_13, %mul3A_14 : i32
      %add3A_16 = arith.constant 0 : i32
      %add3A_17 = arith.addi %add3A_16, %mul3A_15 : i32
      "tpu.region"() ({
        %run_scoped3A = tpu.sem_alloc : memref<!tpu.dma_semaphore, #tpu.memory_space<semaphore_mem>>
        %dma_start3A = arith.constant 0 : i32
        %dma_start3A_18 = tpu.memref_slice %arg5[%add3A_17, %dma_start3A] : memref<79x128xi32, #tpu.memory_space<vmem>> -> memref<1x128xi32, #tpu.memory_space<vmem>>
        %dma_start3A_19 = tpu.memref_squeeze %dma_start3A_18 : memref<1x128xi32, #tpu.memory_space<vmem>> -> memref<128xi32, #tpu.memory_space<vmem>>
        %dma_start3A_20 = arith.constant 0 : i32
        %dma_start3A_21 = arith.constant 0 : i32
        %dma_start3A_22 = tpu.memref_slice %arg7[%dma_start3A_20, %dma_start3A_21] : memref<10112x16xf32, #tpu.memory_space<vmem_shared>> -> memref<10112x16xf32, #tpu.memory_space<vmem_shared>>
        tpu.enqueue_indirect_dma source(%arg6 : memref<128x16xf32, #tpu.memory_space<vmem>>) target(%dma_start3A_22 : memref<10112x16xf32, #tpu.memory_space<vmem_shared>>) offsets(%dma_start3A_19 : memref<128xi32, #tpu.memory_space<vmem>>) semaphore(%run_scoped3A : memref<!tpu.dma_semaphore, #tpu.memory_space<semaphore_mem>>) {add = true}
        %dma_wait3A = arith.constant 0 : i32
        %dma_wait3A_23 = tpu.memref_slice %arg5[%add3A_17, %dma_wait3A] : memref<79x128xi32, #tpu.memory_space<vmem>> -> memref<1x128xi32, #tpu.memory_space<vmem>>
        %dma_wait3A_24 = tpu.memref_squeeze %dma_wait3A_23 : memref<1x128xi32, #tpu.memory_space<vmem>> -> memref<128xi32, #tpu.memory_space<vmem>>
        %dma_wait3A_25 = arith.constant 0 : i32
        %dma_wait3A_26 = arith.constant 0 : i32
        %dma_wait3A_27 = tpu.memref_slice %arg7[%dma_wait3A_25, %dma_wait3A_26] : memref<10112x16xf32, #tpu.memory_space<vmem_shared>> -> memref<10112x16xf32, #tpu.memory_space<vmem_shared>>
        tpu.wait_indirect_dma semaphore(%run_scoped3A : memref<!tpu.dma_semaphore, #tpu.memory_space<semaphore_mem>>) src(%arg6 : memref<128x16xf32, #tpu.memory_space<vmem>>) dst(%dma_wait3A_27 : memref<10112x16xf32, #tpu.memory_space<vmem_shared>>)
        tpu.yield
      }) : () -> ()
    }
    %scan3A_11 = arith.constant 79 : i32
    %barrier3A_12 = arith.constant 0 : index
    tpu.barrier barrier_id(%barrier3A_12)
    "tpu.region"() ({
      %run_scoped3A = tpu.sem_alloc : memref<!tpu.dma_semaphore, #tpu.memory_space<semaphore_mem>>
      %dma_start3A = arith.constant 0 : i32
      %dma_start3A_13 = tpu.memref_slice %arg4[%arg0, %mul3A_2, %dma_start3A] : memref<2x10112x16xf32, #tpu.memory_space<hbm>> -> memref<1x632x16xf32, #tpu.memory_space<hbm>>
      %dma_start3A_14 = tpu.memref_squeeze %dma_start3A_13 : memref<1x632x16xf32, #tpu.memory_space<hbm>> -> memref<632x16xf32, #tpu.memory_space<hbm>>
      %dma_start3A_15 = arith.constant 0 : i32
      %dma_start3A_16 = tpu.memref_slice %arg7[%mul3A_2, %dma_start3A_15] : memref<10112x16xf32, #tpu.memory_space<vmem_shared>> -> memref<632x16xf32, #tpu.memory_space<vmem_shared>>
      tpu.enqueue_dma source(%dma_start3A_16 : memref<632x16xf32, #tpu.memory_space<vmem_shared>>) target(%dma_start3A_14 : memref<632x16xf32, #tpu.memory_space<hbm>>) target_semaphore(%run_scoped3A : memref<!tpu.dma_semaphore, #tpu.memory_space<semaphore_mem>>)
      %dma_wait3A = arith.constant 0 : i32
      %dma_wait3A_17 = tpu.memref_slice %arg4[%arg0, %mul3A_2, %dma_wait3A] : memref<2x10112x16xf32, #tpu.memory_space<hbm>> -> memref<1x632x16xf32, #tpu.memory_space<hbm>>
      %dma_wait3A_18 = tpu.memref_squeeze %dma_wait3A_17 : memref<1x632x16xf32, #tpu.memory_space<hbm>> -> memref<632x16xf32, #tpu.memory_space<hbm>>
      %dma_wait3A_19 = arith.constant 0 : i32
      %dma_wait3A_20 = tpu.memref_slice %arg7[%mul3A_2, %dma_wait3A_19] : memref<10112x16xf32, #tpu.memory_space<vmem_shared>> -> memref<632x16xf32, #tpu.memory_space<vmem_shared>>
      tpu.wait_dma2 semaphore(%run_scoped3A : memref<!tpu.dma_semaphore, #tpu.memory_space<semaphore_mem>>) src(%dma_wait3A_20 : memref<632x16xf32, #tpu.memory_space<vmem_shared>>) dst(%dma_wait3A_18 : memref<632x16xf32, #tpu.memory_space<hbm>>)
      tpu.yield
    }) : () -> ()
    return
  }
}

#map = affine_map<(d0, d1) -> (0, 0)>
#map1 = affine_map<(d0, d1) -> (0, 0, 0)>
module attributes {stable_mosaic.version = 14 : i64} {
  func.func @k(%arg0: i32, %arg1: i32, %arg2: memref<10112x128xf32, #tpu.memory_space<hbm>>, %arg3: memref<32x79x128xi32, #tpu.memory_space<hbm>>, %arg4: memref<32x79x128xi32, #tpu.memory_space<hbm>>, %arg5: memref<632x128xf32, #tpu.memory_space<hbm>>, %arg6: memref<2x10112x128xf32, #tpu.memory_space<hbm>>, %arg7: memref<79x128xi32, #tpu.memory_space<vmem>>, %arg8: memref<79x128xi32, #tpu.memory_space<vmem>>, %arg9: memref<128x128xf32, #tpu.memory_space<vmem>>, %arg10: memref<10112x128xf32, #tpu.memory_space<vmem_shared>>) attributes {dimension_semantics = [#tpu.dimension_semantics<core_parallel>, #tpu.dimension_semantics<subcore_parallel>], iteration_bounds = array<i64: 2, 16>, scalar_prefetch = 0 : i64, scratch_operands = 4 : i64, tpu.core_type = #tpu.core_type<sc_vector_subcore>, window_params = [{transform_indices = #map}, {transform_indices = #map1}, {transform_indices = #map1}, {transform_indices = #map}, {transform_indices = #map1}]} {
    %mul3A = arith.constant 16 : i32
    %mul3A_0 = arith.muli %arg0, %mul3A : i32
    %add3A = arith.addi %mul3A_0, %arg1 : i32
    %mul3A_1 = arith.constant 632 : i32
    %mul3A_2 = arith.muli %arg1, %mul3A_1 : i32
    "tpu.region"() ({
      %run_scoped3A = tpu.sem_alloc : memref<!tpu.dma_semaphore, #tpu.memory_space<semaphore_mem>>
      %dma_start3A = arith.constant 0 : i32
      %dma_start3A_8 = tpu.memref_slice %arg10[%mul3A_2, %dma_start3A] : memref<10112x128xf32, #tpu.memory_space<vmem_shared>> -> memref<632x128xf32, #tpu.memory_space<vmem_shared>>
      tpu.enqueue_dma source(%arg5 : memref<632x128xf32, #tpu.memory_space<hbm>>) target(%dma_start3A_8 : memref<632x128xf32, #tpu.memory_space<vmem_shared>>) target_semaphore(%run_scoped3A : memref<!tpu.dma_semaphore, #tpu.memory_space<semaphore_mem>>)
      %dma_wait3A = arith.constant 0 : i32
      %dma_wait3A_9 = tpu.memref_slice %arg10[%mul3A_2, %dma_wait3A] : memref<10112x128xf32, #tpu.memory_space<vmem_shared>> -> memref<632x128xf32, #tpu.memory_space<vmem_shared>>
      tpu.wait_dma2 semaphore(%run_scoped3A : memref<!tpu.dma_semaphore, #tpu.memory_space<semaphore_mem>>) src(%arg5 : memref<632x128xf32, #tpu.memory_space<hbm>>) dst(%dma_wait3A_9 : memref<632x128xf32, #tpu.memory_space<vmem_shared>>)
      tpu.yield
    }) : () -> ()
    "tpu.region"() ({
      %run_scoped3A = tpu.sem_alloc : memref<!tpu.dma_semaphore, #tpu.memory_space<semaphore_mem>>
      %dma_start3A = arith.constant 0 : i32
      %dma_start3A_8 = arith.constant 0 : i32
      %dma_start3A_9 = tpu.memref_slice %arg3[%add3A, %dma_start3A, %dma_start3A_8] : memref<32x79x128xi32, #tpu.memory_space<hbm>> -> memref<1x79x128xi32, #tpu.memory_space<hbm>>
      %dma_start3A_10 = tpu.memref_squeeze %dma_start3A_9 : memref<1x79x128xi32, #tpu.memory_space<hbm>> -> memref<79x128xi32, #tpu.memory_space<hbm>>
      %dma_start3A_11 = arith.constant 0 : i32
      %dma_start3A_12 = arith.constant 0 : i32
      %dma_start3A_13 = tpu.memref_slice %arg3[%add3A, %dma_start3A_11, %dma_start3A_12] : memref<32x79x128xi32, #tpu.memory_space<hbm>> -> memref<1x79x128xi32, #tpu.memory_space<hbm>>
      %dma_start3A_14 = tpu.memref_squeeze %dma_start3A_13 : memref<1x79x128xi32, #tpu.memory_space<hbm>> -> memref<79x128xi32, #tpu.memory_space<hbm>>
      tpu.enqueue_dma source(%dma_start3A_14 : memref<79x128xi32, #tpu.memory_space<hbm>>) target(%arg7 : memref<79x128xi32, #tpu.memory_space<vmem>>) target_semaphore(%run_scoped3A : memref<!tpu.dma_semaphore, #tpu.memory_space<semaphore_mem>>)
      %dma_wait3A = arith.constant 0 : i32
      %dma_wait3A_15 = arith.constant 0 : i32
      %dma_wait3A_16 = tpu.memref_slice %arg3[%add3A, %dma_wait3A, %dma_wait3A_15] : memref<32x79x128xi32, #tpu.memory_space<hbm>> -> memref<1x79x128xi32, #tpu.memory_space<hbm>>
      %dma_wait3A_17 = tpu.memref_squeeze %dma_wait3A_16 : memref<1x79x128xi32, #tpu.memory_space<hbm>> -> memref<79x128xi32, #tpu.memory_space<hbm>>
      %dma_wait3A_18 = arith.constant 0 : i32
      %dma_wait3A_19 = arith.constant 0 : i32
      %dma_wait3A_20 = tpu.memref_slice %arg3[%add3A, %dma_wait3A_18, %dma_wait3A_19] : memref<32x79x128xi32, #tpu.memory_space<hbm>> -> memref<1x79x128xi32, #tpu.memory_space<hbm>>
      %dma_wait3A_21 = tpu.memref_squeeze %dma_wait3A_20 : memref<1x79x128xi32, #tpu.memory_space<hbm>> -> memref<79x128xi32, #tpu.memory_space<hbm>>
      tpu.wait_dma2 semaphore(%run_scoped3A : memref<!tpu.dma_semaphore, #tpu.memory_space<semaphore_mem>>) src(%dma_wait3A_21 : memref<79x128xi32, #tpu.memory_space<hbm>>) dst(%arg7 : memref<79x128xi32, #tpu.memory_space<vmem>>)
      tpu.yield
    }) : () -> ()
    "tpu.region"() ({
      %run_scoped3A = tpu.sem_alloc : memref<!tpu.dma_semaphore, #tpu.memory_space<semaphore_mem>>
      %dma_start3A = arith.constant 0 : i32
      %dma_start3A_8 = arith.constant 0 : i32
      %dma_start3A_9 = tpu.memref_slice %arg4[%add3A, %dma_start3A, %dma_start3A_8] : memref<32x79x128xi32, #tpu.memory_space<hbm>> -> memref<1x79x128xi32, #tpu.memory_space<hbm>>
      %dma_start3A_10 = tpu.memref_squeeze %dma_start3A_9 : memref<1x79x128xi32, #tpu.memory_space<hbm>> -> memref<79x128xi32, #tpu.memory_space<hbm>>
      %dma_start3A_11 = arith.constant 0 : i32
      %dma_start3A_12 = arith.constant 0 : i32
      %dma_start3A_13 = tpu.memref_slice %arg4[%add3A, %dma_start3A_11, %dma_start3A_12] : memref<32x79x128xi32, #tpu.memory_space<hbm>> -> memref<1x79x128xi32, #tpu.memory_space<hbm>>
      %dma_start3A_14 = tpu.memref_squeeze %dma_start3A_13 : memref<1x79x128xi32, #tpu.memory_space<hbm>> -> memref<79x128xi32, #tpu.memory_space<hbm>>
      tpu.enqueue_dma source(%dma_start3A_14 : memref<79x128xi32, #tpu.memory_space<hbm>>) target(%arg8 : memref<79x128xi32, #tpu.memory_space<vmem>>) target_semaphore(%run_scoped3A : memref<!tpu.dma_semaphore, #tpu.memory_space<semaphore_mem>>)
      %dma_wait3A = arith.constant 0 : i32
      %dma_wait3A_15 = arith.constant 0 : i32
      %dma_wait3A_16 = tpu.memref_slice %arg4[%add3A, %dma_wait3A, %dma_wait3A_15] : memref<32x79x128xi32, #tpu.memory_space<hbm>> -> memref<1x79x128xi32, #tpu.memory_space<hbm>>
      %dma_wait3A_17 = tpu.memref_squeeze %dma_wait3A_16 : memref<1x79x128xi32, #tpu.memory_space<hbm>> -> memref<79x128xi32, #tpu.memory_space<hbm>>
      %dma_wait3A_18 = arith.constant 0 : i32
      %dma_wait3A_19 = arith.constant 0 : i32
      %dma_wait3A_20 = tpu.memref_slice %arg4[%add3A, %dma_wait3A_18, %dma_wait3A_19] : memref<32x79x128xi32, #tpu.memory_space<hbm>> -> memref<1x79x128xi32, #tpu.memory_space<hbm>>
      %dma_wait3A_21 = tpu.memref_squeeze %dma_wait3A_20 : memref<1x79x128xi32, #tpu.memory_space<hbm>> -> memref<79x128xi32, #tpu.memory_space<hbm>>
      tpu.wait_dma2 semaphore(%run_scoped3A : memref<!tpu.dma_semaphore, #tpu.memory_space<semaphore_mem>>) src(%dma_wait3A_21 : memref<79x128xi32, #tpu.memory_space<hbm>>) dst(%arg8 : memref<79x128xi32, #tpu.memory_space<vmem>>)
      tpu.yield
    }) : () -> ()
    %barrier3A = arith.constant 0 : index
    tpu.barrier barrier_id(%barrier3A)
    %scan3A = arith.constant 0 : i32
    %scan3A_3 = arith.constant 79 : i32
    %scan3A_4 = arith.addi %scan3A, %scan3A_3 : i32
    %scan3A_5 = arith.constant 1 : i32
    scf.for %scan3A_8 = %scan3A to %scan3A_4 step %scan3A_5  : i32 {
      %mul3A_9 = arith.constant 1 : i32
      %mul3A_10 = arith.muli %scan3A_8, %mul3A_9 : i32
      %add3A_11 = arith.constant 0 : i32
      %add3A_12 = arith.addi %add3A_11, %mul3A_10 : i32
      "tpu.region"() ({
        %run_scoped3A = tpu.sem_alloc : memref<!tpu.dma_semaphore, #tpu.memory_space<semaphore_mem>>
        %dma_start3A = arith.constant 0 : i32
        %dma_start3A_13 = tpu.memref_slice %arg7[%add3A_12, %dma_start3A] : memref<79x128xi32, #tpu.memory_space<vmem>> -> memref<1x128xi32, #tpu.memory_space<vmem>>
        %dma_start3A_14 = tpu.memref_squeeze %dma_start3A_13 : memref<1x128xi32, #tpu.memory_space<vmem>> -> memref<128xi32, #tpu.memory_space<vmem>>
        %dma_start3A_15 = arith.constant 0 : i32
        %dma_start3A_16 = arith.constant 0 : i32
        %dma_start3A_17 = tpu.memref_slice %arg2[%dma_start3A_15, %dma_start3A_16] : memref<10112x128xf32, #tpu.memory_space<hbm>> -> memref<10112x128xf32, #tpu.memory_space<hbm>>
        tpu.enqueue_indirect_dma source(%dma_start3A_17 : memref<10112x128xf32, #tpu.memory_space<hbm>>) target(%arg9 : memref<128x128xf32, #tpu.memory_space<vmem>>) offsets(%dma_start3A_14 : memref<128xi32, #tpu.memory_space<vmem>>) semaphore(%run_scoped3A : memref<!tpu.dma_semaphore, #tpu.memory_space<semaphore_mem>>)
        %dma_wait3A = arith.constant 0 : i32
        %dma_wait3A_18 = tpu.memref_slice %arg7[%add3A_12, %dma_wait3A] : memref<79x128xi32, #tpu.memory_space<vmem>> -> memref<1x128xi32, #tpu.memory_space<vmem>>
        %dma_wait3A_19 = tpu.memref_squeeze %dma_wait3A_18 : memref<1x128xi32, #tpu.memory_space<vmem>> -> memref<128xi32, #tpu.memory_space<vmem>>
        %dma_wait3A_20 = arith.constant 0 : i32
        %dma_wait3A_21 = arith.constant 0 : i32
        %dma_wait3A_22 = tpu.memref_slice %arg2[%dma_wait3A_20, %dma_wait3A_21] : memref<10112x128xf32, #tpu.memory_space<hbm>> -> memref<10112x128xf32, #tpu.memory_space<hbm>>
        tpu.wait_indirect_dma semaphore(%run_scoped3A : memref<!tpu.dma_semaphore, #tpu.memory_space<semaphore_mem>>) src(%dma_wait3A_22 : memref<10112x128xf32, #tpu.memory_space<hbm>>) dst(%arg9 : memref<128x128xf32, #tpu.memory_space<vmem>>)
        tpu.yield
      }) : () -> ()
      "tpu.region"() ({
        %run_scoped3A = tpu.sem_alloc : memref<!tpu.dma_semaphore, #tpu.memory_space<semaphore_mem>>
        %dma_start3A = arith.constant 0 : i32
        %dma_start3A_13 = tpu.memref_slice %arg8[%add3A_12, %dma_start3A] : memref<79x128xi32, #tpu.memory_space<vmem>> -> memref<1x128xi32, #tpu.memory_space<vmem>>
        %dma_start3A_14 = tpu.memref_squeeze %dma_start3A_13 : memref<1x128xi32, #tpu.memory_space<vmem>> -> memref<128xi32, #tpu.memory_space<vmem>>
        %dma_start3A_15 = arith.constant 0 : i32
        %dma_start3A_16 = arith.constant 0 : i32
        %dma_start3A_17 = tpu.memref_slice %arg10[%dma_start3A_15, %dma_start3A_16] : memref<10112x128xf32, #tpu.memory_space<vmem_shared>> -> memref<10112x128xf32, #tpu.memory_space<vmem_shared>>
        tpu.enqueue_indirect_dma source(%arg9 : memref<128x128xf32, #tpu.memory_space<vmem>>) target(%dma_start3A_17 : memref<10112x128xf32, #tpu.memory_space<vmem_shared>>) offsets(%dma_start3A_14 : memref<128xi32, #tpu.memory_space<vmem>>) semaphore(%run_scoped3A : memref<!tpu.dma_semaphore, #tpu.memory_space<semaphore_mem>>) {add = true}
        %dma_wait3A = arith.constant 0 : i32
        %dma_wait3A_18 = tpu.memref_slice %arg8[%add3A_12, %dma_wait3A] : memref<79x128xi32, #tpu.memory_space<vmem>> -> memref<1x128xi32, #tpu.memory_space<vmem>>
        %dma_wait3A_19 = tpu.memref_squeeze %dma_wait3A_18 : memref<1x128xi32, #tpu.memory_space<vmem>> -> memref<128xi32, #tpu.memory_space<vmem>>
        %dma_wait3A_20 = arith.constant 0 : i32
        %dma_wait3A_21 = arith.constant 0 : i32
        %dma_wait3A_22 = tpu.memref_slice %arg10[%dma_wait3A_20, %dma_wait3A_21] : memref<10112x128xf32, #tpu.memory_space<vmem_shared>> -> memref<10112x128xf32, #tpu.memory_space<vmem_shared>>
        tpu.wait_indirect_dma semaphore(%run_scoped3A : memref<!tpu.dma_semaphore, #tpu.memory_space<semaphore_mem>>) src(%arg9 : memref<128x128xf32, #tpu.memory_space<vmem>>) dst(%dma_wait3A_22 : memref<10112x128xf32, #tpu.memory_space<vmem_shared>>)
        tpu.yield
      }) : () -> ()
    }
    %scan3A_6 = arith.constant 79 : i32
    %barrier3A_7 = arith.constant 0 : index
    tpu.barrier barrier_id(%barrier3A_7)
    "tpu.region"() ({
      %run_scoped3A = tpu.sem_alloc : memref<!tpu.dma_semaphore, #tpu.memory_space<semaphore_mem>>
      %dma_start3A = arith.constant 0 : i32
      %dma_start3A_8 = tpu.memref_slice %arg6[%arg0, %mul3A_2, %dma_start3A] : memref<2x10112x128xf32, #tpu.memory_space<hbm>> -> memref<1x632x128xf32, #tpu.memory_space<hbm>>
      %dma_start3A_9 = tpu.memref_squeeze %dma_start3A_8 : memref<1x632x128xf32, #tpu.memory_space<hbm>> -> memref<632x128xf32, #tpu.memory_space<hbm>>
      %dma_start3A_10 = arith.constant 0 : i32
      %dma_start3A_11 = tpu.memref_slice %arg10[%mul3A_2, %dma_start3A_10] : memref<10112x128xf32, #tpu.memory_space<vmem_shared>> -> memref<632x128xf32, #tpu.memory_space<vmem_shared>>
      tpu.enqueue_dma source(%dma_start3A_11 : memref<632x128xf32, #tpu.memory_space<vmem_shared>>) target(%dma_start3A_9 : memref<632x128xf32, #tpu.memory_space<hbm>>) target_semaphore(%run_scoped3A : memref<!tpu.dma_semaphore, #tpu.memory_space<semaphore_mem>>)
      %dma_wait3A = arith.constant 0 : i32
      %dma_wait3A_12 = tpu.memref_slice %arg6[%arg0, %mul3A_2, %dma_wait3A] : memref<2x10112x128xf32, #tpu.memory_space<hbm>> -> memref<1x632x128xf32, #tpu.memory_space<hbm>>
      %dma_wait3A_13 = tpu.memref_squeeze %dma_wait3A_12 : memref<1x632x128xf32, #tpu.memory_space<hbm>> -> memref<632x128xf32, #tpu.memory_space<hbm>>
      %dma_wait3A_14 = arith.constant 0 : i32
      %dma_wait3A_15 = tpu.memref_slice %arg10[%mul3A_2, %dma_wait3A_14] : memref<10112x128xf32, #tpu.memory_space<vmem_shared>> -> memref<632x128xf32, #tpu.memory_space<vmem_shared>>
      tpu.wait_dma2 semaphore(%run_scoped3A : memref<!tpu.dma_semaphore, #tpu.memory_space<semaphore_mem>>) src(%dma_wait3A_15 : memref<632x128xf32, #tpu.memory_space<vmem_shared>>) dst(%dma_wait3A_13 : memref<632x128xf32, #tpu.memory_space<hbm>>)
      tpu.yield
    }) : () -> ()
    return
  }
}

module attributes {stable_mosaic.version = 14 : i64} {
  func.func @body(%arg0: memref<10112x128xf32, #tpu.memory_space<vmem>>, %arg1: memref<128x128xf32, #tpu.memory_space<vmem>>, %arg2: memref<2x10112x16xf32, #tpu.memory_space<vmem>>, %arg3: memref<10112x128xf32, #tpu.memory_space<vmem>>, %arg4: memref<10112x1xf32, #tpu.memory_space<vmem>>) attributes {dimension_semantics = [], scalar_prefetch = 0 : i64, scratch_operands = 0 : i64, tpu.core_type = #tpu.core_type<tc>} {
    %get3A = arith.constant 0 : index
    %get3A_0 = arith.constant 0 : index
    %get3A_1 = arith.constant 0 : index
    %get3A_2 = vector.load %arg2[%get3A, %get3A_0, %get3A_1] : memref<2x10112x16xf32, #tpu.memory_space<vmem>>, vector<1x10112x1xf32>
    %get3A_3 = vector.shape_cast %get3A_2 : vector<1x10112x1xf32> to vector<10112x1xf32>
    %get3A_4 = arith.constant 1 : index
    %get3A_5 = arith.constant 0 : index
    %get3A_6 = arith.constant 0 : index
    %get3A_7 = vector.load %arg2[%get3A_4, %get3A_5, %get3A_6] : memref<2x10112x16xf32, #tpu.memory_space<vmem>>, vector<1x10112x1xf32>
    %get3A_8 = vector.shape_cast %get3A_7 : vector<1x10112x1xf32> to vector<10112x1xf32>
    %add3A = arith.addf %get3A_3, %get3A_8 : vector<10112x1xf32>
    %add3A_9 = arith.constant 1.000000e+00 : f32
    %add3A_10 = vector.broadcast %add3A_9 : f32 to vector<10112x1xf32>
    %add3A_11 = arith.addf %add3A, %add3A_10 : vector<10112x1xf32>
    %rsqrt3A = math.rsqrt %add3A_11 : vector<10112x1xf32>
    %get3A_12 = arith.constant 0 : index
    %get3A_13 = arith.constant 0 : index
    %get3A_14 = vector.load %arg0[%get3A_12, %get3A_13] : memref<10112x128xf32, #tpu.memory_space<vmem>>, vector<10112x128xf32>
    %get3A_15 = arith.constant 0 : index
    %get3A_16 = arith.constant 0 : index
    %get3A_17 = vector.load %arg1[%get3A_15, %get3A_16] : memref<128x128xf32, #tpu.memory_space<vmem>>, vector<128x128xf32>
    %convert_element_type3A = arith.truncf %get3A_14 : vector<10112x128xf32> to vector<10112x128xbf16>
    %convert_element_type3A_18 = arith.extf %convert_element_type3A : vector<10112x128xbf16> to vector<10112x128xf32>
    %sub3A = arith.subf %get3A_14, %convert_element_type3A_18 : vector<10112x128xf32>
    %convert_element_type3A_19 = arith.truncf %sub3A : vector<10112x128xf32> to vector<10112x128xbf16>
    %convert_element_type3A_20 = arith.truncf %get3A_17 : vector<128x128xf32> to vector<128x128xbf16>
    %convert_element_type3A_21 = arith.extf %convert_element_type3A_20 : vector<128x128xbf16> to vector<128x128xf32>
    %sub3A_22 = arith.subf %get3A_17, %convert_element_type3A_21 : vector<128x128xf32>
    %convert_element_type3A_23 = arith.truncf %sub3A_22 : vector<128x128xf32> to vector<128x128xbf16>
    %dot_general3A = arith.constant dense<0.000000e+00> : vector<10112x128xf32>
    %dot_general3A_24 = tpu.matmul %convert_element_type3A, %convert_element_type3A_20, %dot_general3A {dimension_numbers = #tpu.dot_dimension_numbers<[1], [0], [0], [1], [0, 0, 1, 1], [], []>, transpose_lhs_hint = false} : vector<10112x128xbf16>, vector<128x128xbf16>, vector<10112x128xf32> -> vector<10112x128xf32>
    %dot_general3A_25 = arith.constant dense<0.000000e+00> : vector<10112x128xf32>
    %dot_general3A_26 = tpu.matmul %convert_element_type3A, %convert_element_type3A_23, %dot_general3A_25 {dimension_numbers = #tpu.dot_dimension_numbers<[1], [0], [0], [1], [0, 0, 1, 1], [], []>, transpose_lhs_hint = false} : vector<10112x128xbf16>, vector<128x128xbf16>, vector<10112x128xf32> -> vector<10112x128xf32>
    %add3A_27 = arith.addf %dot_general3A_24, %dot_general3A_26 : vector<10112x128xf32>
    %dot_general3A_28 = arith.constant dense<0.000000e+00> : vector<10112x128xf32>
    %dot_general3A_29 = tpu.matmul %convert_element_type3A_19, %convert_element_type3A_20, %dot_general3A_28 {dimension_numbers = #tpu.dot_dimension_numbers<[1], [0], [0], [1], [0, 0, 1, 1], [], []>, transpose_lhs_hint = false} : vector<10112x128xbf16>, vector<128x128xbf16>, vector<10112x128xf32> -> vector<10112x128xf32>
    %add3A_30 = arith.addf %add3A_27, %dot_general3A_29 : vector<10112x128xf32>
    %mul3A = vector.broadcast %rsqrt3A : vector<10112x1xf32> to vector<10112x128xf32>
    %mul3A_31 = arith.mulf %add3A_30, %mul3A : vector<10112x128xf32>
    %swap3A = arith.constant 0 : index
    %swap3A_32 = arith.constant 0 : index
    %swap3A_33 = vector.load %arg3[%swap3A, %swap3A_32] : memref<10112x128xf32, #tpu.memory_space<vmem>>, vector<10112x128xf32>
    tpu.vector_store %arg3[%swap3A, %swap3A_32], %mul3A_31 {strides = array<i32>} : memref<10112x128xf32, #tpu.memory_space<vmem>>, vector<10112x128xf32>,
    %swap3A_34 = arith.constant 0 : index
    %swap3A_35 = arith.constant 0 : index
    %swap3A_36 = vector.load %arg4[%swap3A_34, %swap3A_35] : memref<10112x1xf32, #tpu.memory_space<vmem>>, vector<10112x1xf32>
    tpu.vector_store %arg4[%swap3A_34, %swap3A_35], %rsqrt3A {strides = array<i32>} : memref<10112x1xf32, #tpu.memory_space<vmem>>, vector<10112x1xf32>,
    return
  }
}

module attributes {stable_mosaic.version = 14 : i64} {
  func.func @body(%arg0: memref<2x10112x128xf32, #tpu.memory_space<vmem>>, %arg1: memref<10112x128xf32, #tpu.memory_space<vmem>>, %arg2: memref<10112x1xf32, #tpu.memory_space<vmem>>, %arg3: memref<1x128xf32, #tpu.memory_space<vmem>>, %arg4: memref<128x128xf32, #tpu.memory_space<vmem>>, %arg5: memref<10112x128xf32, #tpu.memory_space<vmem>>) attributes {dimension_semantics = [], scalar_prefetch = 0 : i64, scratch_operands = 0 : i64, tpu.core_type = #tpu.core_type<tc>} {
    %get3A = arith.constant 0 : index
    %get3A_0 = arith.constant 0 : index
    %get3A_1 = vector.load %arg2[%get3A, %get3A_0] : memref<10112x1xf32, #tpu.memory_space<vmem>>, vector<10112x1xf32>
    %get3A_2 = arith.constant 0 : index
    %get3A_3 = arith.constant 0 : index
    %get3A_4 = arith.constant 0 : index
    %get3A_5 = vector.load %arg0[%get3A_2, %get3A_3, %get3A_4] : memref<2x10112x128xf32, #tpu.memory_space<vmem>>, vector<1x10112x128xf32>
    %get3A_6 = vector.shape_cast %get3A_5 : vector<1x10112x128xf32> to vector<10112x128xf32>
    %get3A_7 = arith.constant 1 : index
    %get3A_8 = arith.constant 0 : index
    %get3A_9 = arith.constant 0 : index
    %get3A_10 = vector.load %arg0[%get3A_7, %get3A_8, %get3A_9] : memref<2x10112x128xf32, #tpu.memory_space<vmem>>, vector<1x10112x128xf32>
    %get3A_11 = vector.shape_cast %get3A_10 : vector<1x10112x128xf32> to vector<10112x128xf32>
    %add3A = arith.addf %get3A_6, %get3A_11 : vector<10112x128xf32>
    %get3A_12 = arith.constant 0 : index
    %get3A_13 = arith.constant 0 : index
    %get3A_14 = vector.load %arg1[%get3A_12, %get3A_13] : memref<10112x128xf32, #tpu.memory_space<vmem>>, vector<10112x128xf32>
    %add3A_15 = arith.addf %add3A, %get3A_14 : vector<10112x128xf32>
    %mul3A = vector.broadcast %get3A_1 : vector<10112x1xf32> to vector<10112x128xf32>
    %mul3A_16 = arith.mulf %mul3A, %add3A_15 : vector<10112x128xf32>
    %get3A_17 = arith.constant 0 : index
    %get3A_18 = arith.constant 0 : index
    %get3A_19 = vector.load %arg3[%get3A_17, %get3A_18] : memref<1x128xf32, #tpu.memory_space<vmem>>, vector<1x128xf32>
    %add3A_20 = vector.broadcast %get3A_19 : vector<1x128xf32> to vector<10112x128xf32>
    %add3A_21 = arith.addf %mul3A_16, %add3A_20 : vector<10112x128xf32>
    %max3A = arith.constant 0.000000e+00 : f32
    %max3A_22 = vector.broadcast %max3A : f32 to vector<10112x128xf32>
    %max3A_23 = arith.maximumf %add3A_21, %max3A_22 : vector<10112x128xf32>
    %iota3A = tpu.iota {dimensions = array<i32: 0>} : vector<10112x1xi32>
    %lt3A = arith.constant 10000 : i32
    %lt3A_24 = vector.broadcast %lt3A : i32 to vector<10112x1xi32>
    %lt3A_25 = arith.cmpi slt, %iota3A, %lt3A_24 : vector<10112x1xi32>
    %jit3A = arith.constant 0.000000e+00 : f32
    %broadcast_in_dim3A = vector.shape_cast %lt3A_25 : vector<10112x1xi1> to vector<10112x1xi1>
    %broadcast_in_dim3A_26 = vector.broadcast %broadcast_in_dim3A : vector<10112x1xi1> to vector<10112x128xi1>
    %broadcast_in_dim3A_27 = vector.broadcast %jit3A : f32 to vector<10112x128xf32>
    %select_n3A = arith.select %broadcast_in_dim3A_26, %max3A_23, %broadcast_in_dim3A_27 : vector<10112x128xi1>, vector<10112x128xf32>
    %get3A_28 = arith.constant 0 : index
    %get3A_29 = arith.constant 0 : index
    %get3A_30 = vector.load %arg4[%get3A_28, %get3A_29] : memref<128x128xf32, #tpu.memory_space<vmem>>, vector<128x128xf32>
    %convert_element_type3A = arith.truncf %select_n3A : vector<10112x128xf32> to vector<10112x128xbf16>
    %convert_element_type3A_31 = arith.extf %convert_element_type3A : vector<10112x128xbf16> to vector<10112x128xf32>
    %sub3A = arith.subf %select_n3A, %convert_element_type3A_31 : vector<10112x128xf32>
    %convert_element_type3A_32 = arith.truncf %sub3A : vector<10112x128xf32> to vector<10112x128xbf16>
    %convert_element_type3A_33 = arith.truncf %get3A_30 : vector<128x128xf32> to vector<128x128xbf16>
    %convert_element_type3A_34 = arith.extf %convert_element_type3A_33 : vector<128x128xbf16> to vector<128x128xf32>
    %sub3A_35 = arith.subf %get3A_30, %convert_element_type3A_34 : vector<128x128xf32>
    %convert_element_type3A_36 = arith.truncf %sub3A_35 : vector<128x128xf32> to vector<128x128xbf16>
    %dot_general3A = arith.constant dense<0.000000e+00> : vector<10112x128xf32>
    %dot_general3A_37 = tpu.matmul %convert_element_type3A, %convert_element_type3A_33, %dot_general3A {dimension_numbers = #tpu.dot_dimension_numbers<[1], [0], [0], [1], [0, 0, 1, 1], [], []>, transpose_lhs_hint = false} : vector<10112x128xbf16>, vector<128x128xbf16>, vector<10112x128xf32> -> vector<10112x128xf32>
    %dot_general3A_38 = arith.constant dense<0.000000e+00> : vector<10112x128xf32>
    %dot_general3A_39 = tpu.matmul %convert_element_type3A, %convert_element_type3A_36, %dot_general3A_38 {dimension_numbers = #tpu.dot_dimension_numbers<[1], [0], [0], [1], [0, 0, 1, 1], [], []>, transpose_lhs_hint = false} : vector<10112x128xbf16>, vector<128x128xbf16>, vector<10112x128xf32> -> vector<10112x128xf32>
    %add3A_40 = arith.addf %dot_general3A_37, %dot_general3A_39 : vector<10112x128xf32>
    %dot_general3A_41 = arith.constant dense<0.000000e+00> : vector<10112x128xf32>
    %dot_general3A_42 = tpu.matmul %convert_element_type3A_32, %convert_element_type3A_33, %dot_general3A_41 {dimension_numbers = #tpu.dot_dimension_numbers<[1], [0], [0], [1], [0, 0, 1, 1], [], []>, transpose_lhs_hint = false} : vector<10112x128xbf16>, vector<128x128xbf16>, vector<10112x128xf32> -> vector<10112x128xf32>
    %add3A_43 = arith.addf %add3A_40, %dot_general3A_42 : vector<10112x128xf32>
    %mul3A_44 = vector.broadcast %get3A_1 : vector<10112x1xf32> to vector<10112x128xf32>
    %mul3A_45 = arith.mulf %mul3A_44, %add3A_43 : vector<10112x128xf32>
    %swap3A = arith.constant 0 : index
    %swap3A_46 = arith.constant 0 : index
    %swap3A_47 = vector.load %arg5[%swap3A, %swap3A_46] : memref<10112x128xf32, #tpu.memory_space<vmem>>, vector<10112x128xf32>
    tpu.vector_store %arg5[%swap3A, %swap3A_46], %mul3A_45 {strides = array<i32>} : memref<10112x128xf32, #tpu.memory_space<vmem>>, vector<10112x128xf32>,
    return
  }
}

module attributes {stable_mosaic.version = 14 : i64} {
  func.func @body(%arg0: memref<2x10112x128xf32, #tpu.memory_space<vmem>>, %arg1: memref<10112x128xf32, #tpu.memory_space<vmem>>, %arg2: memref<10112x1xf32, #tpu.memory_space<vmem>>, %arg3: memref<1x128xf32, #tpu.memory_space<vmem>>, %arg4: memref<128x1xf32, #tpu.memory_space<vmem>>, %arg5: memref<1x1xf32, #tpu.memory_space<vmem>>, %arg6: memref<10112x1xf32, #tpu.memory_space<vmem>>) attributes {dimension_semantics = [], scalar_prefetch = 0 : i64, scratch_operands = 0 : i64, tpu.core_type = #tpu.core_type<tc>} {
    %get3A = arith.constant 0 : index
    %get3A_0 = arith.constant 0 : index
    %get3A_1 = vector.load %arg2[%get3A, %get3A_0] : memref<10112x1xf32, #tpu.memory_space<vmem>>, vector<10112x1xf32>
    %get3A_2 = arith.constant 0 : index
    %get3A_3 = arith.constant 0 : index
    %get3A_4 = arith.constant 0 : index
    %get3A_5 = vector.load %arg0[%get3A_2, %get3A_3, %get3A_4] : memref<2x10112x128xf32, #tpu.memory_space<vmem>>, vector<1x10112x128xf32>
    %get3A_6 = vector.shape_cast %get3A_5 : vector<1x10112x128xf32> to vector<10112x128xf32>
    %get3A_7 = arith.constant 1 : index
    %get3A_8 = arith.constant 0 : index
    %get3A_9 = arith.constant 0 : index
    %get3A_10 = vector.load %arg0[%get3A_7, %get3A_8, %get3A_9] : memref<2x10112x128xf32, #tpu.memory_space<vmem>>, vector<1x10112x128xf32>
    %get3A_11 = vector.shape_cast %get3A_10 : vector<1x10112x128xf32> to vector<10112x128xf32>
    %add3A = arith.addf %get3A_6, %get3A_11 : vector<10112x128xf32>
    %get3A_12 = arith.constant 0 : index
    %get3A_13 = arith.constant 0 : index
    %get3A_14 = vector.load %arg1[%get3A_12, %get3A_13] : memref<10112x128xf32, #tpu.memory_space<vmem>>, vector<10112x128xf32>
    %add3A_15 = arith.addf %add3A, %get3A_14 : vector<10112x128xf32>
    %mul3A = vector.broadcast %get3A_1 : vector<10112x1xf32> to vector<10112x128xf32>
    %mul3A_16 = arith.mulf %mul3A, %add3A_15 : vector<10112x128xf32>
    %get3A_17 = arith.constant 0 : index
    %get3A_18 = arith.constant 0 : index
    %get3A_19 = vector.load %arg3[%get3A_17, %get3A_18] : memref<1x128xf32, #tpu.memory_space<vmem>>, vector<1x128xf32>
    %add3A_20 = vector.broadcast %get3A_19 : vector<1x128xf32> to vector<10112x128xf32>
    %add3A_21 = arith.addf %mul3A_16, %add3A_20 : vector<10112x128xf32>
    %max3A = arith.constant 0.000000e+00 : f32
    %max3A_22 = vector.broadcast %max3A : f32 to vector<10112x128xf32>
    %max3A_23 = arith.maximumf %add3A_21, %max3A_22 : vector<10112x128xf32>
    %get3A_24 = arith.constant 0 : index
    %get3A_25 = arith.constant 0 : index
    %get3A_26 = vector.load %arg4[%get3A_24, %get3A_25] : memref<128x1xf32, #tpu.memory_space<vmem>>, vector<128x1xf32>
    %convert_element_type3A = arith.truncf %max3A_23 : vector<10112x128xf32> to vector<10112x128xbf16>
    %convert_element_type3A_27 = arith.extf %convert_element_type3A : vector<10112x128xbf16> to vector<10112x128xf32>
    %sub3A = arith.subf %max3A_23, %convert_element_type3A_27 : vector<10112x128xf32>
    %convert_element_type3A_28 = arith.truncf %sub3A : vector<10112x128xf32> to vector<10112x128xbf16>
    %convert_element_type3A_29 = arith.truncf %get3A_26 : vector<128x1xf32> to vector<128x1xbf16>
    %convert_element_type3A_30 = arith.extf %convert_element_type3A_29 : vector<128x1xbf16> to vector<128x1xf32>
    %sub3A_31 = arith.subf %get3A_26, %convert_element_type3A_30 : vector<128x1xf32>
    %convert_element_type3A_32 = arith.truncf %sub3A_31 : vector<128x1xf32> to vector<128x1xbf16>
    %dot_general3A = arith.constant dense<0.000000e+00> : vector<10112x1xf32>
    %dot_general3A_33 = tpu.matmul %convert_element_type3A, %convert_element_type3A_29, %dot_general3A {dimension_numbers = #tpu.dot_dimension_numbers<[1], [0], [0], [1], [0, 0, 1, 1], [], []>, transpose_lhs_hint = false} : vector<10112x128xbf16>, vector<128x1xbf16>, vector<10112x1xf32> -> vector<10112x1xf32>
    %dot_general3A_34 = arith.constant dense<0.000000e+00> : vector<10112x1xf32>
    %dot_general3A_35 = tpu.matmul %convert_element_type3A, %convert_element_type3A_32, %dot_general3A_34 {dimension_numbers = #tpu.dot_dimension_numbers<[1], [0], [0], [1], [0, 0, 1, 1], [], []>, transpose_lhs_hint = false} : vector<10112x128xbf16>, vector<128x1xbf16>, vector<10112x1xf32> -> vector<10112x1xf32>
    %add3A_36 = arith.addf %dot_general3A_33, %dot_general3A_35 : vector<10112x1xf32>
    %dot_general3A_37 = arith.constant dense<0.000000e+00> : vector<10112x1xf32>
    %dot_general3A_38 = tpu.matmul %convert_element_type3A_28, %convert_element_type3A_29, %dot_general3A_37 {dimension_numbers = #tpu.dot_dimension_numbers<[1], [0], [0], [1], [0, 0, 1, 1], [], []>, transpose_lhs_hint = false} : vector<10112x128xbf16>, vector<128x1xbf16>, vector<10112x1xf32> -> vector<10112x1xf32>
    %add3A_39 = arith.addf %add3A_36, %dot_general3A_38 : vector<10112x1xf32>
    %get3A_40 = arith.constant 0 : index
    %get3A_41 = arith.constant 0 : index
    %get3A_42 = vector.load %arg5[%get3A_40, %get3A_41] : memref<1x1xf32, #tpu.memory_space<vmem>>, vector<1x1xf32>
    %add3A_43 = vector.broadcast %get3A_42 : vector<1x1xf32> to vector<10112x1xf32>
    %add3A_44 = arith.addf %add3A_39, %add3A_43 : vector<10112x1xf32>
    %swap3A = arith.constant 0 : index
    %swap3A_45 = arith.constant 0 : index
    %swap3A_46 = vector.load %arg6[%swap3A, %swap3A_45] : memref<10112x1xf32, #tpu.memory_space<vmem>>, vector<10112x1xf32>
    tpu.vector_store %arg6[%swap3A, %swap3A_45], %add3A_44 {strides = array<i32>} : memref<10112x1xf32, #tpu.memory_space<vmem>>, vector<10112x1xf32>,
    return
  }
}

</mosaic_0001>

<sc_bundles>
// kernel: kernel.11.cloned.1.call-start
scs
__scs_entry_jumppad:
0x0: {  	(pc) =	sbr.rel $0x88, $3  }
0x1: {  	(tag) =	ssettag $0x0;
	lr =	simm.s32 $0x1  }
0x2: {  	[smem:$0x3F99] =	sst lr;
	_ =	strace $0xD0000000  }
0x3: {  	_ = 	snop  }
0x4: {  	_ = 	snop  }
0x5: {  	_ = 	snop  }
0x6: {  	_ = 	snop  }
0x7: {  	_ = 	snop  }
__scs_overlays_trampoline_lowered:
0x8: {  	[smem:$0x3FA8] =	sst s0  }
0x9: {  	[smem:$0x3FA9] =	sst s1  }
0xa: {  	[smem:$0x3FAA] =	sst s2  }
0xb: {  	[smem:$0x3FAB] =	sst s3  }
0xc: {  	[smem:$0x3FAC] =	sst s4  }
0xd: {  	[smem:$0x3FAD] =	sst s5  }
0xe: {  	[smem:$0x3FAE] =	sst s6  }
0xf: {  	[smem:$0x3FAF] =	sst s7  }
0x10: {  	[smem:$0x3FB0] =	sst s8  }
0x11: {  	[smem:$0x3FB1] =	sst s9;
	s0 =	simm.s32 @!p0 $0x0  }
0x12: {  	s1 =	sld [smem:$0x3F97];
	s0 =	simm.s32 @p0 $0x1  }
0x13: {  	[smem:$0x3FB2] =	sst s0;
	s0 =	simm.s32 @!p1 $0x0  }
0x14: {  	s2 =	sld [smem:$0x3F96];
	s0 =	simm.s32 @p1 $0x1  }
0x15: {  	[smem:$0x3FB3] =	sst s0;
	s0 =	simm.s32 @!p2 $0x0  }
0x16: {  	s3 =	sld [smem:$0x3FDB];
	s0 =	simm.s32 @p2 $0x1  }
0x17: {  	s4 =	simm.s32 $0x1BF5;
	[smem:$0x3FB5] =	sst s0  }
0x18: {  	s0 =	sld [smem:$0x3F98];
	_ =	swait.ge [sflag:s4], $0x0  }
0x19: {  	s7 =	sld [smem:$0x3F99]  }
0x1a: {  	s8 =	sadd.s32 $0xFFFFE003, lr  }
0x1b: {  	s9 =	sadd.s32 $0xFFFFFEF7, lr;
	s5 =	simm.s32 $0xFFFFFFFF;
	p2 =	slt.u32 s8, $0xFFFFF086  }
0x1c: {  	p1 =	slt.u32 s9, $0xF7A;
	s5 =	simm.s32 @!p2 $0x0  }
0x1d: {  	s5 =	simm.s32 @p1 $0x1;
	p0 =	seq.s32 s7, s2  }
0x1e: {  	s7 =	smul.u32 @!p0 $0xF7A, s2;
	p2 =	seq.s32 @!p0 s5, $0x0  }
0x1f: {  	s9 =	smul.u32 $0xF7A, s1;
	s8 =	simm.s32 @!p0 $0x1BF5;
	p2 =	por !p2, p0  }
0x20: {  	[sflag:s8] =	ssyncset.s32 @!p0 $0xFFFFF086;
	s6 =	sadd.s32 @!p0 s3, s7;
	s7 =	simm.s32 @!p0 $0x108  }
0x21: {  	s3 =	sadd.s32 s3, s9;
	s6 =	sadd.s32 @!p0 $0x88, s6;
	s7 =	simm.s32 @p2 $0x1082  }
0x22: {  	[simem:s7], [sflag:s8] =	dma.local @!p0 [hbm:s6], $0xF7A  }
0x23: {  	s9 =	sor.u32 $0xD0000000, s2;
	s6 =	simm.s32 $0x108;
	_ =	swait.ge @!p0 [sflag:s8], $0x0  }
0x24: {  	s3 =	sadd.s32 $0x88, s3;
	s6 =	simm.s32 @!p1 $0x1082;
	[sflag:s4] =	ssyncset.s32 $0xFFFFF086  }
0x25: {  	[simem:s6], [sflag:s4] =	dma.local [hbm:s3], $0xF7A  }
0x26: {  	[smem:$0x3F99] =	sst s1;
	(tag) =	ssettag s2;
	_ =	strace s9  }
0x27: {  	s1 =	sld [smem:$0x3FA9]  }
0x28: {  	s2 =	sld [smem:$0x3FAA]  }
0x29: {  	s4 =	sld [smem:$0x3FAC]  }
0x2a: {  	p0 =	seq.s32 s5, $0x0;
	s5 =	sld [smem:$0x3FAD]  }
0x2b: {  	s6 =	sld [smem:$0x3FAE]  }
0x2c: {  	s7 =	sld [smem:$0x3FAF]  }
0x2d: {  	s3 =	simm.s32 $0x108;
	s8 =	sld [smem:$0x3FB0]  }
0x2e: {  	s3 =	simm.s32 @!p0 $0x1082;
	s9 =	sld [smem:$0x3FB1]  }
0x2f: {  	lr =	sadd.s32 s0, s3;
	s0 =	sld [smem:$0x3FA8]  }
0x30: {  	s3 =	sld [smem:$0x3FAB]  }
0x31: {  	[smem:$0x3FB4] =	sst s10  }
0x32: {  	s10 =	sld [smem:$0x3FB2];
	_ =	sdelay $0x3  }
0x33: {  	p0 =	seq.s32 s10, $0x1;
	s10 =	sld [smem:$0x3FB4];
	_ =	sdelay $0x3  }
0x34: {  	[smem:$0x3FB4] =	sst s10  }
0x35: {  	s10 =	sld [smem:$0x3FB3];
	_ =	sdelay $0x3  }
0x36: {  	p1 =	seq.s32 s10, $0x1;
	s10 =	sld [smem:$0x3FB4];
	_ =	sdelay $0x3  }
0x37: {  	[smem:$0x3FB4] =	sst s10  }
0x38: {  	s10 =	sld [smem:$0x3FB5]  }
0x39: {  	_ = 	snop;
	(pc) =	sbr.ind lr, $3  }
0x3a: {  	_ = 	snop  }
0x3b: {  	_ = 	snop  }
0x3c: {  	p2 =	seq.s32 s10, $0x1;
	s10 =	sld [smem:$0x3FB4]  }
0x3d: {  	_ =	shalt  }
0x3e: {  	_ =	shalt  }
0x3f: {  	_ =	shalt  }
0x40: {  	_ =	shalt  }
0x41: {  	_ =	shalt  }
0x42: {  	_ =	shalt  }
0x43: {  	_ =	shalt  }
0x44: {  	_ =	shalt  }
0x45: {  	_ =	shalt  }
0x46: {  	_ =	shalt  }
0x47: {  	_ =	shalt  }
0x48: {  	_ =	shalt  }
0x49: {  	_ =	shalt  }
0x4a: {  	_ =	shalt  }
0x4b: {  	_ =	shalt  }
0x4c: {  	_ =	shalt  }
0x4d: {  	_ =	shalt  }
0x4e: {  	_ =	shalt  }
0x4f: {  	_ =	shalt  }
0x50: {  	_ =	shalt  }
0x51: {  	_ =	shalt  }
0x52: {  	_ =	shalt  }
0x53: {  	_ =	shalt  }
0x54: {  	_ =	shalt  }
0x55: {  	_ =	shalt  }
0x56: {  	_ =	shalt  }
0x57: {  	_ =	shalt  }
0x58: {  	_ =	shalt  }
0x59: {  	_ =	shalt  }
0x5a: {  	_ =	shalt  }
0x5b: {  	_ =	shalt  }
0x5c: {  	_ =	shalt  }
0x5d: {  	_ =	shalt  }
0x5e: {  	_ =	shalt  }
0x5f: {  	_ =	shalt  }
0x60: {  	_ =	shalt  }
0x61: {  	_ =	shalt  }
0x62: {  	_ =	shalt  }
0x63: {  	_ =	shalt  }
0x64: {  	_ =	shalt  }
0x65: {  	_ =	shalt  }
0x66: {  	_ =	shalt  }
0x67: {  	_ =	shalt  }
0x68: {  	_ =	shalt  }
0x69: {  	_ =	shalt  }
0x6a: {  	_ =	shalt  }
0x6b: {  	_ =	shalt  }
0x6c: {  	_ =	shalt  }
0x6d: {  	_ =	shalt  }
0x6e: {  	_ =	shalt  }
0x6f: {  	_ =	shalt  }
0x70: {  	_ =	shalt  }
0x71: {  	_ =	shalt  }
0x72: {  	_ =	shalt  }
0x73: {  	_ =	shalt  }
0x74: {  	_ =	shalt  }
0x75: {  	_ =	shalt  }
0x76: {  	_ =	shalt  }
0x77: {  	_ =	shalt  }
0x78: {  	_ =	shalt  }
0x79: {  	_ =	shalt  }
0x7a: {  	_ =	shalt  }
0x7b: {  	_ =	shalt  }
0x7c: {  	_ =	shalt  }
0x7d: {  	_ =	shalt  }
0x7e: {  	_ =	shalt  }
0x7f: {  	_ =	shalt  }
0x80: {  	_ =	shalt  }
0x81: {  	_ =	shalt  }
0x82: {  	_ =	shalt  }
0x83: {  	_ =	shalt  }
0x84: {  	_ =	shalt  }
0x85: {  	_ =	shalt  }
0x86: {  	_ =	shalt  }
0x87: {  	_ =	shalt  }
.Lfunc_end0:
.L_simem_size_0:
called_computation.1_lowered:
.L_overlay_start_0:
0x88: {  	s2 =	sld [smem:$0x3FD9]  }
0x89: {  	s3 =	sld [smem:$0x3FFE];
	_ =	sdelay $0x1  }
0x8a: {  	s1 =	srdreg.scid  }
0x8b: {  	s0 =	sand.u32 $0x1, s1  }
0x8c: {  	s16 =	sshll.u32 s0, $0xA;
	s2 =	sadd.s32 s3, s2  }
0x8d: {  	s2 =	sadd.s32 s2, s16  }
0x8e: {  	[smem:$0x3FC0] =	sst s2  }
0x8f: {  	_ = 	snop  }
0x90: {  	(tm) =	ssettm $0x1  }
0x91: {  	s17 =	sld [smem:$0x3FFB];
	_ =	sdelay $0x3  }
0x92: {  	_ =	strace s17  }
0x93: {  	s2 =	sld [smem:$0x3FFC];
	_ =	sdelay $0x3  }
0x94: {  	_ =	strace s2  }
0x95: {  	s2 =	sld [smem:$0x3FFD];
	_ =	sdelay $0x3  }
0x96: {  	_ =	strace s2  }
0x97: {  	_ =	strace $0x8FFFFFFF  }
0x98: {  	s18 =	sld [smem:$0x3FDB];
	_ =	sdelay $0x1  }
0x99: {  	s19 =	simm.s32 $_scs_section_size  }
0x9a: {  	s4 =	simm.s32 $_size__tile_overlayer_lowered;
	s5 =	simm.s32 $_tile_overlayer_lowered  }
0x9b: {  	s22 =	simm.s32 $0x1BFF;
	s21 =	sshll.u32 s5, $0x1;
	s2 =	sadd.s32 s19, s18  }
0x9c: {  	s6 =	simm.s32 $0x0;
	s20 =	sshll.u32 s4, $0x1;
	s4 =	sadd.s32 s21, s2  }
0x9d: {  	[timem:s6], [sflag:s22] =	dma.local [hbm:s4], s20  }
0x9e: {  	_ =	swait.ge [sflag:s22], s20  }
0x9f: {  	s3 =	ssub.s32 $0x0, s20;
	[sflag:s22] =	ssyncset.done $0x0  }
0xa0: {  	[sflag:s22] =	ssyncadd.s32 s3;
	_ =	sdelay $0x1  }
0xa1: {  	s23 =	simm.s32 $0x1B8B  }
0xa2: {  	_ =	swait.ge [sflag:s23], $0x1  }
0xa3: {  	[sflag:s23] =	ssyncset.done $0x0  }
0xa4: {  	s25 =	simm.s32 $0x1B8E;
	s24 =	sld [smem:$0x3FFE];
	[sflag:s23] =	ssyncadd.s32 $0xFFFFFFFF  }
0xa5: {  	s26 =	simm.s32 $execute0_lowered;
	[smem:$0x3FD2] =	sst s25  }
0xa6: {  	s4 =	sshll.u32 s26, $0x1;
	_ =	strace $0x80000049;
	[dreg:$0x1] =	wrdreg $0xFFFFFFFF  }
0xa7: {  	s28 =	simm.s32 $_size_execute0_lowered;
	s2 =	sadd.s32 s2, s4;
	[dreg:$0x0] =	wrdreg $0x0  }
0xa8: {  	s4 =	sshll.u32 s28, $0x1;
	[dreg:$0x2] =	wrdreg s2  }
0xa9: {  	[dreg:$0x3] =	wrdreg s4  }
0xaa: {  	[dreg:$0x4] =	wrdreg $0xC0  }
0xab: {  	_ =	task [dreg:s6], $0x5FFFF  }
0xac: {  	[dreg:$0x1] =	wrdreg $0xFFFFFFFF  }
0xad: {  	[dreg:$0x0] =	wrdreg $0x60  }
0xae: {  	[dreg:$0x2] =	wrdreg s24  }
0xaf: {  	[dreg:$0x3] =	wrdreg $0x90000  }
0xb0: {  	[dreg:$0x4] =	wrdreg $0x9  }
0xb1: {  	_ =	task.clear_ibuf [dreg:s6], $0x5FFFF;
	_ =	strace $0x90000049  }
0xb2: {  	s29 =	simm.s32 $0x9;
	_ =	strace $0x8000004B  }
0xb3: {  	_ =	swait.ge [sflag:s29], $0x1  }
0xb4: {  	[sflag:s29] =	ssyncadd.s32 $0xFFFFFFFF  }
0xb5: {  	_ =	strace $0x9000004B  }
0xb6: {  	_ =	sfence  }
0xb7: {  	s30 =	sld [smem:$0x0];
	_ =	sdelay $0x2  }
0xb8: {  	s31 =	sshll.u32 s1, $0xD;
	s1 =	sshrl.u32 s1, $0x2  }
0xb9: {  	s3 =	sand.u32 $0x4000, s31;
	s1 =	sadd.s32 s1, s30  }
0xba: {  	s0 =	sor.u32 s3, s0;
	s1 =	sshll.u32 s1, $0x11  }
0xbb: {  	s0 =	sor.u32 s1, s0  }
0xbc: {  	s0 =	sadd.s32 $0x8F2B, s0  }
0xbd: {  	[sflag:s0] =	ssyncadd.remote.s32 $0x1  }
0xbe: {  	_ =	sfence.sel $0xFFFF  }
0xbf: {  	[dreg:$0x0] =	wrdreg $0xFFFFFFFF;
	(pc) =	sbr.abs _section_cstart, $3  }
0xc0: {  	[dreg:$0x1] =	wrdreg $0xFFFFFFFF  }
0xc1: {  	_ =	task.clear_ibuf [dreg:s6], $0x2FFFF;
	_ =	strace $0x9FFFFFFF  }
0xc2: {  	(tm) =	ssettm $0x7FFFFFFF  }
0xc3: {  	_ =	shalt  }
tec
execute0_lowered:
.L_overlay_start_1:
0x0: {  	(tag) =	ssettag $0x1  }
0x1: {  	s0 =	srdreg.scid;
	s6 =	rddreg [dreg:$0x0]  }
0x2: {  	s2 =	rddreg [dreg:$0x1];
	s3 =	simm.s32 $0x0;
	s14 =	simm.s32 $0x80  }
0x3: {  	s15 =	simm.s32 $0x5000;
	s5 =	sand.u32 $0x1, s0;
	s0 =	stileid.u32  }
0x4: {  	s16 =	simm.s32 $0x0;
	[smem:$0x7FF] =	sst s3;
	s8 =	smul.u32 $0x13C000, s5  }
0x5: {  	s4 =	sadd.s32 $0xC600, s6;
	s1 =	sshll.u32 s5, $0x4;
	s9 =	smul.u32 $0x13C00, s0  }
0x6: {  	s26 =	ssub.s32 $0x2, s5;
	s28 =	smul.u32 $0x4F000, s0;
	s5 =	sadd.s32 $0x33E00, s6  }
0x7: {  	s31 =	sshll.u32 s0, $0x6;
	s1 =	sor.u32 s0, s1;
	s29 =	sshrl.u32 s26, $0x1  }
0x8: {  	s7 =	smul.u32 $0x500, s1;
	s1 =	rddreg [dreg:$0x2];
	_ =	strace $0x8000004A  }
0x9: {  	s25 =	sadd.s32 s9, s8;
	s12 =	ssub.s32 s26, s29;
	s30 =	sshrl.u32 s28, $0x2  }
0xa: {  	s13 =	sadd.s32 s30, s2;
	s10 =	sadd.s32 s7, s6;
	s7 =	sshrl.u32 s25, $0x3  }
0xb: {  	s11 =	sadd.s32 s7, s6;
	s6 =	sor.u32 $0x1C01, s31;
	s7 =	sadd.s32 $0x5DE00, s10  }
0xc: {  	s8 =	sadd.s32 $0x2600, s10;
	s10 =	smax.u32 s12, $0x1;
	s12 =	simm.s32 $0x1  }
0xd: {  	s9 =	sadd.s32 $0x67E00, s11;
	s11 =	sshrl.u32 s13, $0x3;
	s13 =	simm.s32 $0x2800  }
.LBB2_1:
0xe: {  	[spmem:s11], [sflag:s6] =	dma.local [hbm:s5], $0x2780  }
0xf: {  	_ =	swait.ge [sflag:s12], $0x2780  }
0x10: {  	[sflag:s12] =	ssyncset.done $0x0  }
0x11: {  	[sflag:s12] =	ssyncadd.s32 $0xFFFFD880  }
0x12: {  	[tilespmem:s3], [sflag:$0x1] =	stream.linear.gather [hbm4b:s7+s3], $0x2780, $0x38;
	[tilespmem:$0x1CC00] =	vst v63  }
0x13: {  	_ =	swait.ge [sflag:s12], $0x2780  }
0x14: {  	[sflag:s12] =	ssyncset.done $0x0  }
0x15: {  	[sflag:s12] =	ssyncadd.s32 $0xFFFFD880  }
0x16: {  	[tilespmem:s13], [sflag:$0x1] =	stream.linear.gather [hbm4b:s8+s3], $0x2780, $0x38;
	[tilespmem:$0x1CC00] =	vst v63  }
0x17: {  	_ =	swait.ge [sflag:s12], $0x2780  }
0x18: {  	[sflag:s12] =	ssyncset.done $0x0  }
0x19: {  	[sflag:s12] =	ssyncadd.s32 $0xFFFFD880  }
0x1a: {  	s17 =	simm.s32 $0x0;
	[bflag:$0x0] =	sbarrier.arrive $0xFFFF  }
0x1b: {  	[tilespmem:s15], [sflag:$0x1] =	stream.indirect.gather [hbm4b:s4+s14], $0x80, s17, s14, $0xb8;
	[tilespmem:$0x1CC00] =	vst v63  }
0x1c: {  	_ =	swait.ge [sflag:s12], $0x4000  }
0x1d: {  	[sflag:s12] =	ssyncset.done $0x0  }
0x1e: {  	s31 =	simm.s32 $0x2800;
	[sflag:s12] =	ssyncadd.s32 $0xFFFFC000  }
0x1f: {  	[spmem:s2] =	stream.indirect.scatter.add.f32 [tilespmem:s15], [sflag:$0x1], $0x80, s31, s14, $0xb8;
	[tilespmem:$0x1CC00] =	vst v63  }
0x20: {  	_ =	swait.ge [sflag:s12], $0x4000  }
0x21: {  	s18 =	simm.s32 $0x400;
	s17 =	simm.s32 $0x200;
	[sflag:s12] =	ssyncset.done $0x0  }
.LBB2_2:
0x22: {  	s19 =	sshra.s32 s17, $0x2  }
0x23: {  	[sflag:s12] =	ssyncadd.s32 $0xFFFFC000;
	s17 =	smov.u32 s18;
	s20 =	sadd.s32 $0x200, s18  }
0x24: {  	[tilespmem:s15], [sflag:$0x1] =	stream.indirect.gather [hbm4b:s4+s14], $0x80, s19, s14, $0xb8;
	[tilespmem:$0x1CC00] =	vst v63  }
0x25: {  	p0 =	sne.s32 s18, $0x9C00;
	_ =	swait.ge [sflag:s12], $0x4000  }
.Ltmp0:
0x26: {  	[sflag:s12] =	ssyncset.done $0x0;
	(pc) =	sbr.rel @p0 .LBB2_2-.Ltmp0, $4  }
0x27: {  	s18 =	sadd.s32 $0x2800, s19;
	[sflag:s12] =	ssyncadd.s32 $0xFFFFC000  }
0x28: {  	[spmem:s2] =	stream.indirect.scatter.add.f32 [tilespmem:s15], [sflag:$0x1], $0x80, s18, s14, $0xb8;
	[tilespmem:$0x1CC00] =	vst v63  }
0x29: {  	_ =	swait.ge [sflag:s12], $0x4000  }
0x2a: {  	s18 =	smov.u32 s20;
	[sflag:s12] =	ssyncset.done $0x0  }
0x2b: {  	s17 =	sshra.s32 s17, $0x2;
	[sflag:s12] =	ssyncadd.s32 $0xFFFFC000  }
0x2c: {  	[tilespmem:s15], [sflag:$0x1] =	stream.indirect.gather [hbm4b:s4+s14], $0x80, s17, s14, $0xb8;
	[tilespmem:$0x1CC00] =	vst v63  }
0x2d: {  	_ =	swait.ge [sflag:s12], $0x4000  }
0x2e: {  	[sflag:s12] =	ssyncset.done $0x0  }
0x2f: {  	s17 =	sadd.s32 $0x2800, s17;
	[sflag:s12] =	ssyncadd.s32 $0xFFFFC000  }
0x30: {  	[spmem:s2] =	stream.indirect.scatter.add.f32 [tilespmem:s15], [sflag:$0x1], $0x80, s17, s14, $0xb8;
	[tilespmem:$0x1CC00] =	vst v63  }
0x31: {  	_ =	swait.ge [sflag:s12], $0x4000  }
0x32: {  	s16 =	sadd.s32 $0x1, s16;
	[sflag:s12] =	ssyncset.done $0x0  }
0x33: {  	p0 =	sne.s32 s16, s10;
	[sflag:s12] =	ssyncadd.s32 $0xFFFFC000  }
.Ltmp1:
0x34: {  	[bflag:$0x0] =	sbarrier.arrive $0xFFFF;
	(pc) =	sbr.rel @p0 .LBB2_1-.Ltmp1, $4  }
0x35: {  	[hbm:s9], [sflag:s6] =	dma.local [spmem:s11], $0x2780  }
0x36: {  	_ =	swait.ge [sflag:s12], $0x2780  }
0x37: {  	[sflag:s12] =	ssyncset.done $0x0  }
0x38: {  	[sflag:s12] =	ssyncadd.s32 $0xFFFFD880  }
0x39: {  	_ =	sfence.sel $0x180000  }
0x3a: {  	[bflag:$0x0] =	sbarrier.arrive $0xFFFF  }
0x3b: {  	p0 =	sne.s32 s0, $0x0;
	_ =	strace $0x9000004A  }
0x3c: {  	s0 =	sadd.s32 @!p0 $0x100000, s1;
	[bflag:$0x2] =	sbarrier.arrive $0xFFFF  }
0x3d: {  	[sflag:s0] =	ssyncadd.tile.s32 @!p0 $0x1;
	_ =	shalt  }
.Lfunc_end2:
_tile_overlayer_lowered:
.L_overlay_start_2:
0x3e: {  	(tag) =	ssettag $0x2  }
0x3f: {  	s0 =	rddreg [dreg:$0x0];
	s2 =	stileid.u32  }
0x40: {  	s1 =	rddreg [dreg:$0x1];
	p0 =	sne.s32 s2, $0x0  }
0x41: {  	s3 =	rddreg [dreg:$0x2];
	[bflag:$0x3] =	sbarrier.arrive $0xFFFF;
	s2 =	simm.s32 @!p0 $0x1C01  }
0x42: {  	[timem:s3], [sflag:s2] =	dma.local @!p0 [hbm:s0], s1  }
0x43: {  	s0 =	simm.s32 @!p0 $0x1  }
0x44: {  	_ =	swait.ge @!p0 [sflag:s0], s1  }
0x45: {  	s1 =	ssub.s32 @!p0 $0x0, s1;
	[sflag:s0] =	ssyncset.done @!p0 $0x0  }
0x46: {  	[sflag:s0] =	ssyncadd.s32 @!p0 s1  }
0x47: {  	[bflag:$0x3] =	sbarrier.arrive $0xFFFF  }
0x48: {  	_ =	shalt  }

// kernel: kernel.14.cloned.1.call-start
scs
__scs_entry_jumppad:
0x0: {  	(pc) =	sbr.rel $0x88, $3  }
0x1: {  	(tag) =	ssettag $0x0;
	lr =	simm.s32 $0x1  }
0x2: {  	[smem:$0x3F99] =	sst lr;
	_ =	strace $0xD0000000  }
0x3: {  	_ = 	snop  }
0x4: {  	_ = 	snop  }
0x5: {  	_ = 	snop  }
0x6: {  	_ = 	snop  }
0x7: {  	_ = 	snop  }
__scs_overlays_trampoline_lowered:
0x8: {  	[smem:$0x3FA8] =	sst s0  }
0x9: {  	[smem:$0x3FA9] =	sst s1  }
0xa: {  	[smem:$0x3FAA] =	sst s2  }
0xb: {  	[smem:$0x3FAB] =	sst s3  }
0xc: {  	[smem:$0x3FAC] =	sst s4  }
0xd: {  	[smem:$0x3FAD] =	sst s5  }
0xe: {  	[smem:$0x3FAE] =	sst s6  }
0xf: {  	[smem:$0x3FAF] =	sst s7  }
0x10: {  	[smem:$0x3FB0] =	sst s8  }
0x11: {  	[smem:$0x3FB1] =	sst s9;
	s0 =	simm.s32 @!p0 $0x0  }
0x12: {  	s1 =	sld [smem:$0x3F97];
	s0 =	simm.s32 @p0 $0x1  }
0x13: {  	[smem:$0x3FB2] =	sst s0;
	s0 =	simm.s32 @!p1 $0x0  }
0x14: {  	s2 =	sld [smem:$0x3F96];
	s0 =	simm.s32 @p1 $0x1  }
0x15: {  	[smem:$0x3FB3] =	sst s0;
	s0 =	simm.s32 @!p2 $0x0  }
0x16: {  	s3 =	sld [smem:$0x3FDB];
	s0 =	simm.s32 @p2 $0x1  }
0x17: {  	s4 =	simm.s32 $0x1BF5;
	[smem:$0x3FB5] =	sst s0  }
0x18: {  	s0 =	sld [smem:$0x3F98];
	_ =	swait.ge [sflag:s4], $0x0  }
0x19: {  	s7 =	sld [smem:$0x3F99]  }
0x1a: {  	s8 =	sadd.s32 $0xFFFFE003, lr  }
0x1b: {  	s9 =	sadd.s32 $0xFFFFFEF7, lr;
	s5 =	simm.s32 $0xFFFFFFFF;
	p2 =	slt.u32 s8, $0xFFFFF086  }
0x1c: {  	p1 =	slt.u32 s9, $0xF7A;
	s5 =	simm.s32 @!p2 $0x0  }
0x1d: {  	s5 =	simm.s32 @p1 $0x1;
	p0 =	seq.s32 s7, s2  }
0x1e: {  	s7 =	smul.u32 @!p0 $0xF7A, s2;
	p2 =	seq.s32 @!p0 s5, $0x0  }
0x1f: {  	s9 =	smul.u32 $0xF7A, s1;
	s8 =	simm.s32 @!p0 $0x1BF5;
	p2 =	por !p2, p0  }
0x20: {  	[sflag:s8] =	ssyncset.s32 @!p0 $0xFFFFF086;
	s6 =	sadd.s32 @!p0 s3, s7;
	s7 =	simm.s32 @!p0 $0x108  }
0x21: {  	s3 =	sadd.s32 s3, s9;
	s6 =	sadd.s32 @!p0 $0x88, s6;
	s7 =	simm.s32 @p2 $0x1082  }
0x22: {  	[simem:s7], [sflag:s8] =	dma.local @!p0 [hbm:s6], $0xF7A  }
0x23: {  	s9 =	sor.u32 $0xD0000000, s2;
	s6 =	simm.s32 $0x108;
	_ =	swait.ge @!p0 [sflag:s8], $0x0  }
0x24: {  	s3 =	sadd.s32 $0x88, s3;
	s6 =	simm.s32 @!p1 $0x1082;
	[sflag:s4] =	ssyncset.s32 $0xFFFFF086  }
0x25: {  	[simem:s6], [sflag:s4] =	dma.local [hbm:s3], $0xF7A  }
0x26: {  	[smem:$0x3F99] =	sst s1;
	(tag) =	ssettag s2;
	_ =	strace s9  }
0x27: {  	s1 =	sld [smem:$0x3FA9]  }
0x28: {  	s2 =	sld [smem:$0x3FAA]  }
0x29: {  	s4 =	sld [smem:$0x3FAC]  }
0x2a: {  	p0 =	seq.s32 s5, $0x0;
	s5 =	sld [smem:$0x3FAD]  }
0x2b: {  	s6 =	sld [smem:$0x3FAE]  }
0x2c: {  	s7 =	sld [smem:$0x3FAF]  }
0x2d: {  	s3 =	simm.s32 $0x108;
	s8 =	sld [smem:$0x3FB0]  }
0x2e: {  	s3 =	simm.s32 @!p0 $0x1082;
	s9 =	sld [smem:$0x3FB1]  }
0x2f: {  	lr =	sadd.s32 s0, s3;
	s0 =	sld [smem:$0x3FA8]  }
0x30: {  	s3 =	sld [smem:$0x3FAB]  }
0x31: {  	[smem:$0x3FB4] =	sst s10  }
0x32: {  	s10 =	sld [smem:$0x3FB2];
	_ =	sdelay $0x3  }
0x33: {  	p0 =	seq.s32 s10, $0x1;
	s10 =	sld [smem:$0x3FB4];
	_ =	sdelay $0x3  }
0x34: {  	[smem:$0x3FB4] =	sst s10  }
0x35: {  	s10 =	sld [smem:$0x3FB3];
	_ =	sdelay $0x3  }
0x36: {  	p1 =	seq.s32 s10, $0x1;
	s10 =	sld [smem:$0x3FB4];
	_ =	sdelay $0x3  }
0x37: {  	[smem:$0x3FB4] =	sst s10  }
0x38: {  	s10 =	sld [smem:$0x3FB5]  }
0x39: {  	_ = 	snop;
	(pc) =	sbr.ind lr, $3  }
0x3a: {  	_ = 	snop  }
0x3b: {  	_ = 	snop  }
0x3c: {  	p2 =	seq.s32 s10, $0x1;
	s10 =	sld [smem:$0x3FB4]  }
0x3d: {  	_ =	shalt  }
0x3e: {  	_ =	shalt  }
0x3f: {  	_ =	shalt  }
0x40: {  	_ =	shalt  }
0x41: {  	_ =	shalt  }
0x42: {  	_ =	shalt  }
0x43: {  	_ =	shalt  }
0x44: {  	_ =	shalt  }
0x45: {  	_ =	shalt  }
0x46: {  	_ =	shalt  }
0x47: {  	_ =	shalt  }
0x48: {  	_ =	shalt  }
0x49: {  	_ =	shalt  }
0x4a: {  	_ =	shalt  }
0x4b: {  	_ =	shalt  }
0x4c: {  	_ =	shalt  }
0x4d: {  	_ =	shalt  }
0x4e: {  	_ =	shalt  }
0x4f: {  	_ =	shalt  }
0x50: {  	_ =	shalt  }
0x51: {  	_ =	shalt  }
0x52: {  	_ =	shalt  }
0x53: {  	_ =	shalt  }
0x54: {  	_ =	shalt  }
0x55: {  	_ =	shalt  }
0x56: {  	_ =	shalt  }
0x57: {  	_ =	shalt  }
0x58: {  	_ =	shalt  }
0x59: {  	_ =	shalt  }
0x5a: {  	_ =	shalt  }
0x5b: {  	_ =	shalt  }
0x5c: {  	_ =	shalt  }
0x5d: {  	_ =	shalt  }
0x5e: {  	_ =	shalt  }
0x5f: {  	_ =	shalt  }
0x60: {  	_ =	shalt  }
0x61: {  	_ =	shalt  }
0x62: {  	_ =	shalt  }
0x63: {  	_ =	shalt  }
0x64: {  	_ =	shalt  }
0x65: {  	_ =	shalt  }
0x66: {  	_ =	shalt  }
0x67: {  	_ =	shalt  }
0x68: {  	_ =	shalt  }
0x69: {  	_ =	shalt  }
0x6a: {  	_ =	shalt  }
0x6b: {  	_ =	shalt  }
0x6c: {  	_ =	shalt  }
0x6d: {  	_ =	shalt  }
0x6e: {  	_ =	shalt  }
0x6f: {  	_ =	shalt  }
0x70: {  	_ =	shalt  }
0x71: {  	_ =	shalt  }
0x72: {  	_ =	shalt  }
0x73: {  	_ =	shalt  }
0x74: {  	_ =	shalt  }
0x75: {  	_ =	shalt  }
0x76: {  	_ =	shalt  }
0x77: {  	_ =	shalt  }
0x78: {  	_ =	shalt  }
0x79: {  	_ =	shalt  }
0x7a: {  	_ =	shalt  }
0x7b: {  	_ =	shalt  }
0x7c: {  	_ =	shalt  }
0x7d: {  	_ =	shalt  }
0x7e: {  	_ =	shalt  }
0x7f: {  	_ =	shalt  }
0x80: {  	_ =	shalt  }
0x81: {  	_ =	shalt  }
0x82: {  	_ =	shalt  }
0x83: {  	_ =	shalt  }
0x84: {  	_ =	shalt  }
0x85: {  	_ =	shalt  }
0x86: {  	_ =	shalt  }
0x87: {  	_ =	shalt  }
.Lfunc_end0:
.L_simem_size_0:
called_computation.2_lowered:
.L_overlay_start_0:
0x88: {  	s2 =	sld [smem:$0x3FD9]  }
0x89: {  	s3 =	sld [smem:$0x3FFE];
	_ =	sdelay $0x1  }
0x8a: {  	s1 =	srdreg.scid  }
0x8b: {  	s0 =	sand.u32 $0x1, s1  }
0x8c: {  	s16 =	sshll.u32 s0, $0xA;
	s2 =	sadd.s32 s3, s2  }
0x8d: {  	s2 =	sadd.s32 s2, s16  }
0x8e: {  	[smem:$0x3FC0] =	sst s2  }
0x8f: {  	_ = 	snop  }
0x90: {  	(tm) =	ssettm $0x1  }
0x91: {  	s17 =	sld [smem:$0x3FFB];
	_ =	sdelay $0x3  }
0x92: {  	_ =	strace s17  }
0x93: {  	s2 =	sld [smem:$0x3FFC];
	_ =	sdelay $0x3  }
0x94: {  	_ =	strace s2  }
0x95: {  	s2 =	sld [smem:$0x3FFD];
	_ =	sdelay $0x3  }
0x96: {  	_ =	strace s2  }
0x97: {  	_ =	strace $0x8FFFFFFF  }
0x98: {  	s18 =	sld [smem:$0x3FDB];
	_ =	sdelay $0x1  }
0x99: {  	s19 =	simm.s32 $_scs_section_size  }
0x9a: {  	s4 =	simm.s32 $_size__tile_overlayer_lowered;
	s5 =	simm.s32 $_tile_overlayer_lowered  }
0x9b: {  	s22 =	simm.s32 $0x1BFF;
	s21 =	sshll.u32 s5, $0x1;
	s2 =	sadd.s32 s19, s18  }
0x9c: {  	s6 =	simm.s32 $0x0;
	s20 =	sshll.u32 s4, $0x1;
	s4 =	sadd.s32 s21, s2  }
0x9d: {  	[timem:s6], [sflag:s22] =	dma.local [hbm:s4], s20  }
0x9e: {  	_ =	swait.ge [sflag:s22], s20  }
0x9f: {  	s3 =	ssub.s32 $0x0, s20;
	[sflag:s22] =	ssyncset.done $0x0  }
0xa0: {  	[sflag:s22] =	ssyncadd.s32 s3;
	_ =	sdelay $0x1  }
0xa1: {  	s23 =	simm.s32 $0x1B8B  }
0xa2: {  	_ =	swait.ge [sflag:s23], $0x1  }
0xa3: {  	[sflag:s23] =	ssyncset.done $0x0  }
0xa4: {  	s25 =	simm.s32 $0x1B8E;
	s24 =	sld [smem:$0x3FFE];
	[sflag:s23] =	ssyncadd.s32 $0xFFFFFFFF  }
0xa5: {  	s26 =	simm.s32 $execute0_lowered;
	[smem:$0x3FD2] =	sst s25  }
0xa6: {  	s4 =	sshll.u32 s26, $0x1;
	_ =	strace $0x8000004C;
	[dreg:$0x1] =	wrdreg $0xFFFFFFFF  }
0xa7: {  	s28 =	simm.s32 $_size_execute0_lowered;
	s2 =	sadd.s32 s2, s4;
	[dreg:$0x0] =	wrdreg $0x0  }
0xa8: {  	s4 =	sshll.u32 s28, $0x1;
	[dreg:$0x2] =	wrdreg s2  }
0xa9: {  	[dreg:$0x3] =	wrdreg s4  }
0xaa: {  	[dreg:$0x4] =	wrdreg $0xC0  }
0xab: {  	_ =	task [dreg:s6], $0x5FFFF  }
0xac: {  	[dreg:$0x1] =	wrdreg $0xFFFFFFFF  }
0xad: {  	[dreg:$0x0] =	wrdreg $0x60  }
0xae: {  	[dreg:$0x2] =	wrdreg s24  }
0xaf: {  	[dreg:$0x3] =	wrdreg $0x90000  }
0xb0: {  	[dreg:$0x4] =	wrdreg $0x9  }
0xb1: {  	_ =	task.clear_ibuf [dreg:s6], $0x5FFFF;
	_ =	strace $0x9000004C  }
0xb2: {  	s29 =	simm.s32 $0x9;
	_ =	strace $0x8000004E  }
0xb3: {  	_ =	swait.ge [sflag:s29], $0x1  }
0xb4: {  	[sflag:s29] =	ssyncadd.s32 $0xFFFFFFFF  }
0xb5: {  	_ =	strace $0x9000004E  }
0xb6: {  	_ =	sfence  }
0xb7: {  	s30 =	sld [smem:$0x0];
	_ =	sdelay $0x2  }
0xb8: {  	s31 =	sshll.u32 s1, $0xD;
	s1 =	sshrl.u32 s1, $0x2  }
0xb9: {  	s3 =	sand.u32 $0x4000, s31;
	s1 =	sadd.s32 s1, s30  }
0xba: {  	s0 =	sor.u32 s3, s0;
	s1 =	sshll.u32 s1, $0x11  }
0xbb: {  	s0 =	sor.u32 s1, s0  }
0xbc: {  	s0 =	sadd.s32 $0x8F2B, s0  }
0xbd: {  	[sflag:s0] =	ssyncadd.remote.s32 $0x1  }
0xbe: {  	_ =	sfence.sel $0xFFFF  }
0xbf: {  	[dreg:$0x0] =	wrdreg $0xFFFFFFFF;
	(pc) =	sbr.abs _section_cstart, $3  }
0xc0: {  	[dreg:$0x1] =	wrdreg $0xFFFFFFFF  }
0xc1: {  	_ =	task.clear_ibuf [dreg:s6], $0x2FFFF;
	_ =	strace $0x9FFFFFFF  }
0xc2: {  	(tm) =	ssettm $0x7FFFFFFF  }
0xc3: {  	_ =	shalt  }
tec
execute0_lowered:
.L_overlay_start_1:
0x0: {  	(tag) =	ssettag $0x1  }
0x1: {  	s0 =	srdreg.scid;
	s6 =	rddreg [dreg:$0x0]  }
0x2: {  	s2 =	rddreg [dreg:$0x1];
	s3 =	simm.s32 $0x0;
	s14 =	simm.s32 $0x80  }
0x3: {  	s15 =	simm.s32 $0x5000;
	s5 =	sand.u32 $0x1, s0;
	s0 =	stileid.u32  }
0x4: {  	s16 =	simm.s32 $0x0;
	[smem:$0x7FF] =	sst s3;
	s8 =	smul.u32 $0x13C000, s5  }
0x5: {  	s4 =	sadd.s32 $0xC600, s6;
	s1 =	sshll.u32 s5, $0x4;
	s9 =	smul.u32 $0x13C00, s0  }
0x6: {  	s26 =	ssub.s32 $0x2, s5;
	s28 =	smul.u32 $0x4F000, s0;
	s5 =	sadd.s32 $0x33E00, s6  }
0x7: {  	s31 =	sshll.u32 s0, $0x6;
	s1 =	sor.u32 s0, s1;
	s29 =	sshrl.u32 s26, $0x1  }
0x8: {  	s7 =	smul.u32 $0x500, s1;
	s1 =	rddreg [dreg:$0x2];
	_ =	strace $0x8000004D  }
0x9: {  	s25 =	sadd.s32 s9, s8;
	s12 =	ssub.s32 s26, s29;
	s30 =	sshrl.u32 s28, $0x2  }
0xa: {  	s13 =	sadd.s32 s30, s2;
	s10 =	sadd.s32 s7, s6;
	s7 =	sshrl.u32 s25, $0x3  }
0xb: {  	s11 =	sadd.s32 s7, s6;
	s6 =	sor.u32 $0x1C01, s31;
	s7 =	sadd.s32 $0x5DE00, s10  }
0xc: {  	s8 =	sadd.s32 $0x2600, s10;
	s10 =	smax.u32 s12, $0x1;
	s12 =	simm.s32 $0x1  }
0xd: {  	s9 =	sadd.s32 $0x67E00, s11;
	s11 =	sshrl.u32 s13, $0x3;
	s13 =	simm.s32 $0x2800  }
.LBB2_1:
0xe: {  	[spmem:s11], [sflag:s6] =	dma.local [hbm:s5], $0x2780  }
0xf: {  	_ =	swait.ge [sflag:s12], $0x2780  }
0x10: {  	[sflag:s12] =	ssyncset.done $0x0  }
0x11: {  	[sflag:s12] =	ssyncadd.s32 $0xFFFFD880  }
0x12: {  	[tilespmem:s3], [sflag:$0x1] =	stream.linear.gather [hbm4b:s7+s3], $0x2780, $0x38;
	[tilespmem:$0x1CC00] =	vst v63  }
0x13: {  	_ =	swait.ge [sflag:s12], $0x2780  }
0x14: {  	[sflag:s12] =	ssyncset.done $0x0  }
0x15: {  	[sflag:s12] =	ssyncadd.s32 $0xFFFFD880  }
0x16: {  	[tilespmem:s13], [sflag:$0x1] =	stream.linear.gather [hbm4b:s8+s3], $0x2780, $0x38;
	[tilespmem:$0x1CC00] =	vst v63  }
0x17: {  	_ =	swait.ge [sflag:s12], $0x2780  }
0x18: {  	[sflag:s12] =	ssyncset.done $0x0  }
0x19: {  	[sflag:s12] =	ssyncadd.s32 $0xFFFFD880  }
0x1a: {  	s17 =	simm.s32 $0x0;
	[bflag:$0x0] =	sbarrier.arrive $0xFFFF  }
0x1b: {  	[tilespmem:s15], [sflag:$0x1] =	stream.indirect.gather [hbm4b:s4+s14], $0x80, s17, s14, $0xb8;
	[tilespmem:$0x1CC00] =	vst v63  }
0x1c: {  	_ =	swait.ge [sflag:s12], $0x4000  }
0x1d: {  	[sflag:s12] =	ssyncset.done $0x0  }
0x1e: {  	s31 =	simm.s32 $0x2800;
	[sflag:s12] =	ssyncadd.s32 $0xFFFFC000  }
0x1f: {  	[spmem:s2] =	stream.indirect.scatter.add.f32 [tilespmem:s15], [sflag:$0x1], $0x80, s31, s14, $0xb8;
	[tilespmem:$0x1CC00] =	vst v63  }
0x20: {  	_ =	swait.ge [sflag:s12], $0x4000  }
0x21: {  	s18 =	simm.s32 $0x400;
	s17 =	simm.s32 $0x200;
	[sflag:s12] =	ssyncset.done $0x0  }
.LBB2_2:
0x22: {  	s19 =	sshra.s32 s17, $0x2  }
0x23: {  	[sflag:s12] =	ssyncadd.s32 $0xFFFFC000;
	s17 =	smov.u32 s18;
	s20 =	sadd.s32 $0x200, s18  }
0x24: {  	[tilespmem:s15], [sflag:$0x1] =	stream.indirect.gather [hbm4b:s4+s14], $0x80, s19, s14, $0xb8;
	[tilespmem:$0x1CC00] =	vst v63  }
0x25: {  	p0 =	sne.s32 s18, $0x9C00;
	_ =	swait.ge [sflag:s12], $0x4000  }
.Ltmp0:
0x26: {  	[sflag:s12] =	ssyncset.done $0x0;
	(pc) =	sbr.rel @p0 .LBB2_2-.Ltmp0, $4  }
0x27: {  	s18 =	sadd.s32 $0x2800, s19;
	[sflag:s12] =	ssyncadd.s32 $0xFFFFC000  }
0x28: {  	[spmem:s2] =	stream.indirect.scatter.add.f32 [tilespmem:s15], [sflag:$0x1], $0x80, s18, s14, $0xb8;
	[tilespmem:$0x1CC00] =	vst v63  }
0x29: {  	_ =	swait.ge [sflag:s12], $0x4000  }
0x2a: {  	s18 =	smov.u32 s20;
	[sflag:s12] =	ssyncset.done $0x0  }
0x2b: {  	s17 =	sshra.s32 s17, $0x2;
	[sflag:s12] =	ssyncadd.s32 $0xFFFFC000  }
0x2c: {  	[tilespmem:s15], [sflag:$0x1] =	stream.indirect.gather [hbm4b:s4+s14], $0x80, s17, s14, $0xb8;
	[tilespmem:$0x1CC00] =	vst v63  }
0x2d: {  	_ =	swait.ge [sflag:s12], $0x4000  }
0x2e: {  	[sflag:s12] =	ssyncset.done $0x0  }
0x2f: {  	s17 =	sadd.s32 $0x2800, s17;
	[sflag:s12] =	ssyncadd.s32 $0xFFFFC000  }
0x30: {  	[spmem:s2] =	stream.indirect.scatter.add.f32 [tilespmem:s15], [sflag:$0x1], $0x80, s17, s14, $0xb8;
	[tilespmem:$0x1CC00] =	vst v63  }
0x31: {  	_ =	swait.ge [sflag:s12], $0x4000  }
0x32: {  	s16 =	sadd.s32 $0x1, s16;
	[sflag:s12] =	ssyncset.done $0x0  }
0x33: {  	p0 =	sne.s32 s16, s10;
	[sflag:s12] =	ssyncadd.s32 $0xFFFFC000  }
.Ltmp1:
0x34: {  	[bflag:$0x0] =	sbarrier.arrive $0xFFFF;
	(pc) =	sbr.rel @p0 .LBB2_1-.Ltmp1, $4  }
0x35: {  	[hbm:s9], [sflag:s6] =	dma.local [spmem:s11], $0x2780  }
0x36: {  	_ =	swait.ge [sflag:s12], $0x2780  }
0x37: {  	[sflag:s12] =	ssyncset.done $0x0  }
0x38: {  	[sflag:s12] =	ssyncadd.s32 $0xFFFFD880  }
0x39: {  	_ =	sfence.sel $0x180000  }
0x3a: {  	[bflag:$0x0] =	sbarrier.arrive $0xFFFF  }
0x3b: {  	p0 =	sne.s32 s0, $0x0;
	_ =	strace $0x9000004D  }
0x3c: {  	s0 =	sadd.s32 @!p0 $0x100000, s1;
	[bflag:$0x2] =	sbarrier.arrive $0xFFFF  }
0x3d: {  	[sflag:s0] =	ssyncadd.tile.s32 @!p0 $0x1;
	_ =	shalt  }
.Lfunc_end2:
_tile_overlayer_lowered:
.L_overlay_start_2:
0x3e: {  	(tag) =	ssettag $0x2  }
0x3f: {  	s0 =	rddreg [dreg:$0x0];
	s2 =	stileid.u32  }
0x40: {  	s1 =	rddreg [dreg:$0x1];
	p0 =	sne.s32 s2, $0x0  }
0x41: {  	s3 =	rddreg [dreg:$0x2];
	[bflag:$0x3] =	sbarrier.arrive $0xFFFF;
	s2 =	simm.s32 @!p0 $0x1C01  }
0x42: {  	[timem:s3], [sflag:s2] =	dma.local @!p0 [hbm:s0], s1  }
0x43: {  	s0 =	simm.s32 @!p0 $0x1  }
0x44: {  	_ =	swait.ge @!p0 [sflag:s0], s1  }
0x45: {  	s1 =	ssub.s32 @!p0 $0x0, s1;
	[sflag:s0] =	ssyncset.done @!p0 $0x0  }
0x46: {  	[sflag:s0] =	ssyncadd.s32 @!p0 s1  }
0x47: {  	[bflag:$0x3] =	sbarrier.arrive $0xFFFF  }
0x48: {  	_ =	shalt  }

// kernel: kernel.8.cloned.1.call-start
scs
__scs_entry_jumppad:
0x0: {  	(pc) =	sbr.rel $0x88, $3  }
0x1: {  	(tag) =	ssettag $0x0;
	lr =	simm.s32 $0x1  }
0x2: {  	[smem:$0x3F99] =	sst lr;
	_ =	strace $0xD0000000  }
0x3: {  	_ = 	snop  }
0x4: {  	_ = 	snop  }
0x5: {  	_ = 	snop  }
0x6: {  	_ = 	snop  }
0x7: {  	_ = 	snop  }
__scs_overlays_trampoline_lowered:
0x8: {  	[smem:$0x3FA8] =	sst s0  }
0x9: {  	[smem:$0x3FA9] =	sst s1  }
0xa: {  	[smem:$0x3FAA] =	sst s2  }
0xb: {  	[smem:$0x3FAB] =	sst s3  }
0xc: {  	[smem:$0x3FAC] =	sst s4  }
0xd: {  	[smem:$0x3FAD] =	sst s5  }
0xe: {  	[smem:$0x3FAE] =	sst s6  }
0xf: {  	[smem:$0x3FAF] =	sst s7  }
0x10: {  	[smem:$0x3FB0] =	sst s8  }
0x11: {  	[smem:$0x3FB1] =	sst s9;
	s0 =	simm.s32 @!p0 $0x0  }
0x12: {  	s1 =	sld [smem:$0x3F97];
	s0 =	simm.s32 @p0 $0x1  }
0x13: {  	[smem:$0x3FB2] =	sst s0;
	s0 =	simm.s32 @!p1 $0x0  }
0x14: {  	s2 =	sld [smem:$0x3F96];
	s0 =	simm.s32 @p1 $0x1  }
0x15: {  	[smem:$0x3FB3] =	sst s0;
	s0 =	simm.s32 @!p2 $0x0  }
0x16: {  	s3 =	sld [smem:$0x3FDB];
	s0 =	simm.s32 @p2 $0x1  }
0x17: {  	s4 =	simm.s32 $0x1BF5;
	[smem:$0x3FB5] =	sst s0  }
0x18: {  	s0 =	sld [smem:$0x3F98];
	_ =	swait.ge [sflag:s4], $0x0  }
0x19: {  	s7 =	sld [smem:$0x3F99]  }
0x1a: {  	s8 =	sadd.s32 $0xFFFFE003, lr  }
0x1b: {  	s9 =	sadd.s32 $0xFFFFFEF7, lr;
	s5 =	simm.s32 $0xFFFFFFFF;
	p2 =	slt.u32 s8, $0xFFFFF086  }
0x1c: {  	p1 =	slt.u32 s9, $0xF7A;
	s5 =	simm.s32 @!p2 $0x0  }
0x1d: {  	s5 =	simm.s32 @p1 $0x1;
	p0 =	seq.s32 s7, s2  }
0x1e: {  	s7 =	smul.u32 @!p0 $0xF7A, s2;
	p2 =	seq.s32 @!p0 s5, $0x0  }
0x1f: {  	s9 =	smul.u32 $0xF7A, s1;
	s8 =	simm.s32 @!p0 $0x1BF5;
	p2 =	por !p2, p0  }
0x20: {  	[sflag:s8] =	ssyncset.s32 @!p0 $0xFFFFF086;
	s6 =	sadd.s32 @!p0 s3, s7;
	s7 =	simm.s32 @!p0 $0x108  }
0x21: {  	s3 =	sadd.s32 s3, s9;
	s6 =	sadd.s32 @!p0 $0x88, s6;
	s7 =	simm.s32 @p2 $0x1082  }
0x22: {  	[simem:s7], [sflag:s8] =	dma.local @!p0 [hbm:s6], $0xF7A  }
0x23: {  	s9 =	sor.u32 $0xD0000000, s2;
	s6 =	simm.s32 $0x108;
	_ =	swait.ge @!p0 [sflag:s8], $0x0  }
0x24: {  	s3 =	sadd.s32 $0x88, s3;
	s6 =	simm.s32 @!p1 $0x1082;
	[sflag:s4] =	ssyncset.s32 $0xFFFFF086  }
0x25: {  	[simem:s6], [sflag:s4] =	dma.local [hbm:s3], $0xF7A  }
0x26: {  	[smem:$0x3F99] =	sst s1;
	(tag) =	ssettag s2;
	_ =	strace s9  }
0x27: {  	s1 =	sld [smem:$0x3FA9]  }
0x28: {  	s2 =	sld [smem:$0x3FAA]  }
0x29: {  	s4 =	sld [smem:$0x3FAC]  }
0x2a: {  	p0 =	seq.s32 s5, $0x0;
	s5 =	sld [smem:$0x3FAD]  }
0x2b: {  	s6 =	sld [smem:$0x3FAE]  }
0x2c: {  	s7 =	sld [smem:$0x3FAF]  }
0x2d: {  	s3 =	simm.s32 $0x108;
	s8 =	sld [smem:$0x3FB0]  }
0x2e: {  	s3 =	simm.s32 @!p0 $0x1082;
	s9 =	sld [smem:$0x3FB1]  }
0x2f: {  	lr =	sadd.s32 s0, s3;
	s0 =	sld [smem:$0x3FA8]  }
0x30: {  	s3 =	sld [smem:$0x3FAB]  }
0x31: {  	[smem:$0x3FB4] =	sst s10  }
0x32: {  	s10 =	sld [smem:$0x3FB2];
	_ =	sdelay $0x3  }
0x33: {  	p0 =	seq.s32 s10, $0x1;
	s10 =	sld [smem:$0x3FB4];
	_ =	sdelay $0x3  }
0x34: {  	[smem:$0x3FB4] =	sst s10  }
0x35: {  	s10 =	sld [smem:$0x3FB3];
	_ =	sdelay $0x3  }
0x36: {  	p1 =	seq.s32 s10, $0x1;
	s10 =	sld [smem:$0x3FB4];
	_ =	sdelay $0x3  }
0x37: {  	[smem:$0x3FB4] =	sst s10  }
0x38: {  	s10 =	sld [smem:$0x3FB5]  }
0x39: {  	_ = 	snop;
	(pc) =	sbr.ind lr, $3  }
0x3a: {  	_ = 	snop  }
0x3b: {  	_ = 	snop  }
0x3c: {  	p2 =	seq.s32 s10, $0x1;
	s10 =	sld [smem:$0x3FB4]  }
0x3d: {  	_ =	shalt  }
0x3e: {  	_ =	shalt  }
0x3f: {  	_ =	shalt  }
0x40: {  	_ =	shalt  }
0x41: {  	_ =	shalt  }
0x42: {  	_ =	shalt  }
0x43: {  	_ =	shalt  }
0x44: {  	_ =	shalt  }
0x45: {  	_ =	shalt  }
0x46: {  	_ =	shalt  }
0x47: {  	_ =	shalt  }
0x48: {  	_ =	shalt  }
0x49: {  	_ =	shalt  }
0x4a: {  	_ =	shalt  }
0x4b: {  	_ =	shalt  }
0x4c: {  	_ =	shalt  }
0x4d: {  	_ =	shalt  }
0x4e: {  	_ =	shalt  }
0x4f: {  	_ =	shalt  }
0x50: {  	_ =	shalt  }
0x51: {  	_ =	shalt  }
0x52: {  	_ =	shalt  }
0x53: {  	_ =	shalt  }
0x54: {  	_ =	shalt  }
0x55: {  	_ =	shalt  }
0x56: {  	_ =	shalt  }
0x57: {  	_ =	shalt  }
0x58: {  	_ =	shalt  }
0x59: {  	_ =	shalt  }
0x5a: {  	_ =	shalt  }
0x5b: {  	_ =	shalt  }
0x5c: {  	_ =	shalt  }
0x5d: {  	_ =	shalt  }
0x5e: {  	_ =	shalt  }
0x5f: {  	_ =	shalt  }
0x60: {  	_ =	shalt  }
0x61: {  	_ =	shalt  }
0x62: {  	_ =	shalt  }
0x63: {  	_ =	shalt  }
0x64: {  	_ =	shalt  }
0x65: {  	_ =	shalt  }
0x66: {  	_ =	shalt  }
0x67: {  	_ =	shalt  }
0x68: {  	_ =	shalt  }
0x69: {  	_ =	shalt  }
0x6a: {  	_ =	shalt  }
0x6b: {  	_ =	shalt  }
0x6c: {  	_ =	shalt  }
0x6d: {  	_ =	shalt  }
0x6e: {  	_ =	shalt  }
0x6f: {  	_ =	shalt  }
0x70: {  	_ =	shalt  }
0x71: {  	_ =	shalt  }
0x72: {  	_ =	shalt  }
0x73: {  	_ =	shalt  }
0x74: {  	_ =	shalt  }
0x75: {  	_ =	shalt  }
0x76: {  	_ =	shalt  }
0x77: {  	_ =	shalt  }
0x78: {  	_ =	shalt  }
0x79: {  	_ =	shalt  }
0x7a: {  	_ =	shalt  }
0x7b: {  	_ =	shalt  }
0x7c: {  	_ =	shalt  }
0x7d: {  	_ =	shalt  }
0x7e: {  	_ =	shalt  }
0x7f: {  	_ =	shalt  }
0x80: {  	_ =	shalt  }
0x81: {  	_ =	shalt  }
0x82: {  	_ =	shalt  }
0x83: {  	_ =	shalt  }
0x84: {  	_ =	shalt  }
0x85: {  	_ =	shalt  }
0x86: {  	_ =	shalt  }
0x87: {  	_ =	shalt  }
.Lfunc_end0:
.L_simem_size_0:
called_computation_lowered:
.L_overlay_start_0:
0x88: {  	s2 =	sld [smem:$0x3FD9]  }
0x89: {  	s3 =	sld [smem:$0x3FFE];
	_ =	sdelay $0x1  }
0x8a: {  	s1 =	srdreg.scid  }
0x8b: {  	s0 =	sand.u32 $0x1, s1  }
0x8c: {  	s16 =	sshll.u32 s0, $0xA;
	s2 =	sadd.s32 s3, s2  }
0x8d: {  	s2 =	sadd.s32 s2, s16  }
0x8e: {  	[smem:$0x3FC0] =	sst s2  }
0x8f: {  	_ = 	snop  }
0x90: {  	(tm) =	ssettm $0x1  }
0x91: {  	s17 =	sld [smem:$0x3FFB];
	_ =	sdelay $0x3  }
0x92: {  	_ =	strace s17  }
0x93: {  	s2 =	sld [smem:$0x3FFC];
	_ =	sdelay $0x3  }
0x94: {  	_ =	strace s2  }
0x95: {  	s2 =	sld [smem:$0x3FFD];
	_ =	sdelay $0x3  }
0x96: {  	_ =	strace s2  }
0x97: {  	_ =	strace $0x8FFFFFFF  }
0x98: {  	s18 =	sld [smem:$0x3FDB];
	_ =	sdelay $0x1  }
0x99: {  	s19 =	simm.s32 $_scs_section_size  }
0x9a: {  	s4 =	simm.s32 $_size__tile_overlayer_lowered;
	s5 =	simm.s32 $_tile_overlayer_lowered  }
0x9b: {  	s22 =	simm.s32 $0x1BFF;
	s21 =	sshll.u32 s5, $0x1;
	s2 =	sadd.s32 s19, s18  }
0x9c: {  	s6 =	simm.s32 $0x0;
	s20 =	sshll.u32 s4, $0x1;
	s4 =	sadd.s32 s21, s2  }
0x9d: {  	[timem:s6], [sflag:s22] =	dma.local [hbm:s4], s20  }
0x9e: {  	_ =	swait.ge [sflag:s22], s20  }
0x9f: {  	s3 =	ssub.s32 $0x0, s20;
	[sflag:s22] =	ssyncset.done $0x0  }
0xa0: {  	[sflag:s22] =	ssyncadd.s32 s3;
	_ =	sdelay $0x1  }
0xa1: {  	s23 =	simm.s32 $0x1B8B  }
0xa2: {  	_ =	swait.ge [sflag:s23], $0x1  }
0xa3: {  	[sflag:s23] =	ssyncset.done $0x0  }
0xa4: {  	s25 =	simm.s32 $0x1B8E;
	s24 =	sld [smem:$0x3FFE];
	[sflag:s23] =	ssyncadd.s32 $0xFFFFFFFF  }
0xa5: {  	s26 =	simm.s32 $execute0_lowered;
	[smem:$0x3FD2] =	sst s25  }
0xa6: {  	s4 =	sshll.u32 s26, $0x1;
	_ =	strace $0x80000046;
	[dreg:$0x1] =	wrdreg $0xFFFFFFFF  }
0xa7: {  	s28 =	simm.s32 $_size_execute0_lowered;
	s2 =	sadd.s32 s2, s4;
	[dreg:$0x0] =	wrdreg $0x0  }
0xa8: {  	s4 =	sshll.u32 s28, $0x1;
	[dreg:$0x2] =	wrdreg s2  }
0xa9: {  	[dreg:$0x3] =	wrdreg s4  }
0xaa: {  	[dreg:$0x4] =	wrdreg $0xC0  }
0xab: {  	_ =	task [dreg:s6], $0x5FFFF  }
0xac: {  	[dreg:$0x1] =	wrdreg $0xFFFFFFFF  }
0xad: {  	[dreg:$0x0] =	wrdreg $0x60  }
0xae: {  	[dreg:$0x2] =	wrdreg s24  }
0xaf: {  	[dreg:$0x3] =	wrdreg $0x68000  }
0xb0: {  	[dreg:$0x4] =	wrdreg $0x9  }
0xb1: {  	_ =	task.clear_ibuf [dreg:s6], $0x5FFFF;
	_ =	strace $0x90000046  }
0xb2: {  	s29 =	simm.s32 $0x9;
	_ =	strace $0x80000048  }
0xb3: {  	_ =	swait.ge [sflag:s29], $0x1  }
0xb4: {  	[sflag:s29] =	ssyncadd.s32 $0xFFFFFFFF  }
0xb5: {  	_ =	strace $0x90000048  }
0xb6: {  	_ =	sfence  }
0xb7: {  	s30 =	sld [smem:$0x0];
	_ =	sdelay $0x2  }
0xb8: {  	s31 =	sshll.u32 s1, $0xD;
	s1 =	sshrl.u32 s1, $0x2  }
0xb9: {  	s3 =	sand.u32 $0x4000, s31;
	s1 =	sadd.s32 s1, s30  }
0xba: {  	s0 =	sor.u32 s3, s0;
	s1 =	sshll.u32 s1, $0x11  }
0xbb: {  	s0 =	sor.u32 s1, s0  }
0xbc: {  	s0 =	sadd.s32 $0x8F2B, s0  }
0xbd: {  	[sflag:s0] =	ssyncadd.remote.s32 $0x1  }
0xbe: {  	_ =	sfence.sel $0xFFFF  }
0xbf: {  	[dreg:$0x0] =	wrdreg $0xFFFFFFFF;
	(pc) =	sbr.abs _section_cstart, $3  }
0xc0: {  	[dreg:$0x1] =	wrdreg $0xFFFFFFFF  }
0xc1: {  	_ =	task.clear_ibuf [dreg:s6], $0x2FFFF;
	_ =	strace $0x9FFFFFFF  }
0xc2: {  	(tm) =	ssettm $0x7FFFFFFF  }
0xc3: {  	_ =	shalt  }
tec
execute0_lowered:
.L_overlay_start_1:
0x0: {  	(tag) =	ssettag $0x1  }
0x1: {  	s0 =	srdreg.scid;
	s6 =	rddreg [dreg:$0x0]  }
0x2: {  	s2 =	rddreg [dreg:$0x1];
	s3 =	simm.s32 $0x0;
	s5 =	sand.u32 $0x1, s0  }
0x3: {  	s12 =	simm.s32 $0x2800;
	s0 =	stileid.u32;
	s7 =	smul.u32 $0x13C000, s5  }
0x4: {  	s13 =	simm.s32 $0x0;
	[smem:$0x7FF] =	sst s3;
	s8 =	smul.u32 $0x13C00, s0  }
0x5: {  	s1 =	sshll.u32 s5, $0x4;
	s29 =	smul.u32 $0x4F000, s0;
	s5 =	ssub.s32 $0x2, s5  }
0x6: {  	s31 =	sshll.u32 s0, $0x6;
	s1 =	sor.u32 s0, s1;
	s30 =	sshrl.u32 s5, $0x1  }
0x7: {  	s4 =	smul.u32 $0x500, s1;
	s1 =	rddreg [dreg:$0x2];
	_ =	strace $0x80000047  }
0x8: {  	s7 =	sadd.s32 s8, s7;
	s8 =	sshrl.u32 s29, $0x2;
	s10 =	ssub.s32 s5, s30  }
0x9: {  	s5 =	sor.u32 $0x1C01, s31;
	s7 =	sshrl.u32 s7, $0x3;
	s11 =	sadd.s32 s8, s2  }
0xa: {  	s8 =	smax.u32 s10, $0x1;
	s10 =	simm.s32 $0x1;
	s9 =	sadd.s32 s4, s6  }
0xb: {  	s4 =	sadd.s32 $0xC600, s6;
	s7 =	sadd.s32 s7, s6;
	s6 =	sadd.s32 $0x2600, s9  }
0xc: {  	v0 =	vimm.f32 $1.000000000e+00;
	s7 =	sadd.s32 $0xEE00, s7;
	s9 =	sshrl.u32 s11, $0x3;
	s11 =	simm.s32 $0x80  }
.LBB2_1:
0xd: {  	[spmem:s9], [sflag:s5] =	dma.local [hbm:s4], $0x2780  }
0xe: {  	_ =	swait.ge [sflag:s10], $0x2780  }
0xf: {  	[sflag:s10] =	ssyncset.done $0x0  }
0x10: {  	[sflag:s10] =	ssyncadd.s32 $0xFFFFD880  }
0x11: {  	[tilespmem:s3], [sflag:$0x1] =	stream.linear.gather [hbm4b:s6+s3], $0x2780, $0x38;
	[tilespmem:$0x8F80] =	vst v63  }
0x12: {  	_ =	swait.ge [sflag:s10], $0x2780  }
0x13: {  	[sflag:s10] =	ssyncset.done $0x0  }
0x14: {  	s14 =	simm.s32 $0x200;
	s15 =	simm.s32 $0x0;
	[sflag:s10] =	ssyncadd.s32 $0xFFFFD880  }
.LBB2_2:
0x15: {  	p0 =	sne.s32 s14, $0xFE00;
	[tilespmem:s15+$0x2800] =	vst v0;
	s15 =	smov.u32 s14;
	s14 =	sadd.s32 $0x200, s14  }
.Ltmp0:
0x16: {  	(pc) =	sbr.rel @p0 .LBB2_2-.Ltmp0, $2  }
0x17: {  	_ =	sdelay $0x2  }
0x18: {  	s15 =	sshra.s32 s15, $0x2  }
0x19: {  	[tilespmem:s15+$0x2800] =	vst v0  }
0x1a: {  	s14 =	simm.s32 $0x0;
	[bflag:$0x0] =	sbarrier.arrive $0xFFFF  }
0x1b: {  	[spmem:s2] =	stream.indirect.scatter.add.f32 [tilespmem:s12], [sflag:$0x1], $0x10, s14, s11, $0xb8;
	[tilespmem:$0x8F80] =	vst v63  }
0x1c: {  	_ =	swait.ge [sflag:s10], $0x800  }
0x1d: {  	s14 =	simm.s32 $0x200;
	[sflag:s10] =	ssyncset.done $0x0  }
.LBB2_4:
0x1e: {  	s15 =	sshra.s32 s14, $0x2;
	[sflag:s10] =	ssyncadd.s32 $0xFFFFF800;
	p0 =	sne.s32 s14, $0x9C00  }
0x1f: {  	[spmem:s2] =	stream.indirect.scatter.add.f32 [tilespmem:s12], [sflag:$0x1], $0x10, s15, s11, $0xb8;
	[tilespmem:$0x8F80] =	vst v63  }
.Ltmp1:
0x20: {  	_ = 	snop;
	(pc) =	sbr.rel @p0 .LBB2_4-.Ltmp1, $4  }
0x21: {  	_ = 	snop  }
0x22: {  	s14 =	sadd.s32 $0x200, s14  }
0x23: {  	_ =	swait.ge [sflag:s10], $0x800  }
0x24: {  	[sflag:s10] =	ssyncset.done $0x0  }
0x25: {  	s13 =	sadd.s32 $0x1, s13  }
0x26: {  	[sflag:s10] =	ssyncadd.s32 $0xFFFFF800;
	p0 =	sne.s32 s13, s8  }
.Ltmp2:
0x27: {  	[bflag:$0x0] =	sbarrier.arrive $0xFFFF;
	(pc) =	sbr.rel @p0 .LBB2_1-.Ltmp2, $4  }
0x28: {  	[hbm:s7], [sflag:s5] =	dma.local [spmem:s9], $0x2780  }
0x29: {  	_ =	swait.ge [sflag:s10], $0x2780  }
0x2a: {  	[sflag:s10] =	ssyncset.done $0x0  }
0x2b: {  	[sflag:s10] =	ssyncadd.s32 $0xFFFFD880  }
0x2c: {  	_ =	sfence.sel $0x180000  }
0x2d: {  	[bflag:$0x0] =	sbarrier.arrive $0xFFFF  }
0x2e: {  	p0 =	sne.s32 s0, $0x0;
	_ =	strace $0x90000047  }
0x2f: {  	s0 =	sadd.s32 @!p0 $0x100000, s1;
	[bflag:$0x2] =	sbarrier.arrive $0xFFFF  }
0x30: {  	[sflag:s0] =	ssyncadd.tile.s32 @!p0 $0x1;
	_ =	shalt  }
.Lfunc_end2:
_tile_overlayer_lowered:
.L_overlay_start_2:
0x31: {  	(tag) =	ssettag $0x2  }
0x32: {  	s0 =	rddreg [dreg:$0x0];
	s2 =	stileid.u32  }
0x33: {  	s1 =	rddreg [dreg:$0x1];
	p0 =	sne.s32 s2, $0x0  }
0x34: {  	s3 =	rddreg [dreg:$0x2];
	[bflag:$0x3] =	sbarrier.arrive $0xFFFF;
	s2 =	simm.s32 @!p0 $0x1C01  }
0x35: {  	[timem:s3], [sflag:s2] =	dma.local @!p0 [hbm:s0], s1  }
0x36: {  	s0 =	simm.s32 @!p0 $0x1  }
0x37: {  	_ =	swait.ge @!p0 [sflag:s0], s1  }
0x38: {  	s1 =	ssub.s32 @!p0 $0x0, s1;
	[sflag:s0] =	ssyncset.done @!p0 $0x0  }
0x39: {  	[sflag:s0] =	ssyncadd.s32 @!p0 s1  }
0x3a: {  	[bflag:$0x3] =	sbarrier.arrive $0xFFFF  }
0x3b: {  	_ =	shalt  }

</sc_bundles>
